<compile_context>
chip_gen: v7x
topology: tpu7x:2x2x1
jax: 0.10.2.dev20260603
libtpu: 0.0.44.dev20260713+nightly
codegen_flags: <defaults>
</compile_context>

<pallas_src>
import functools
import math

import jax
import jax.numpy as jnp
from jax import lax
from jax.experimental import pallas as pl
from jax.experimental.pallas import tpu as pltpu
from jax.experimental.pallas import tpu_sc as plsc

_TOPK = 10
_EPS = 1e-09

_ATAN_C = (0.9999993329, -0.3332985605, 0.1994653599, -0.1390853351,
           0.0964200441, -0.0559098861, 0.0218612288, -0.0040540580)


def _atan_pos(z):
    small = z <= 1.0
    r = jnp.where(small, z, 1.0 / z)
    r2 = r * r
    p = jnp.float32(_ATAN_C[-1])
    for c in _ATAN_C[-2::-1]:
        p = p * r2 + jnp.float32(c)
    a = r * p
    return jnp.where(small, a, jnp.float32(math.pi / 2) - a)


def _ciou(b1x1, b1y1, b1x2, b1y2, b2x1, b2y1, b2x2, b2y2):
    x1 = jnp.maximum(b1x1, b2x1)
    y1 = jnp.maximum(b1y1, b2y1)
    x2 = jnp.minimum(b1x2, b2x2)
    y2 = jnp.minimum(b1y2, b2y2)
    inter = jnp.maximum(x2 - x1, 0.0) * jnp.maximum(y2 - y1, 0.0)
    a1 = (b1x2 - b1x1) * (b1y2 - b1y1)
    a2 = (b2x2 - b2x1) * (b2y2 - b2y1)
    union = a1 + a2 - inter
    iou = inter / (union + _EPS)
    cx1 = (b1x2 + b1x1) / 2
    cy1 = (b1y2 + b1y1) / 2
    cx2 = (b2x2 + b2x1) / 2
    cy2 = (b2y2 + b2y1) / 2
    cent = (cx1 - cx2) ** 2 + (cy1 - cy2) ** 2
    cw = jnp.maximum(b1x2, b2x2) - jnp.minimum(b1x1, b2x1)
    ch = jnp.maximum(b1y2, b2y2) - jnp.minimum(b1y1, b2y1)
    diag = cw * cw + ch * ch + _EPS
    diou = iou - cent / diag
    arct = (_atan_pos((b1x2 - b1x1) / (b1y2 - b1y1 + _EPS))
            - _atan_pos((b2x2 - b2x1) / (b2y2 - b2y1 + _EPS)))
    v = 4.0 / (math.pi ** 2) * arct * arct
    alpha = v / (v - iou + 1.0 + _EPS)
    return diou - alpha * v


_LOG1P_C = (9.099033448922711e-08, 0.9999914490031752, -0.4998010985479464,
            0.3313336586471051, -0.2391897221198826, 0.16478188750256628,
            -0.09231230951911763, 0.03441791151189462, -0.0060747524539370495)

_SC_NW = 32
_SC_BLK = 28000


def _make_softplus_sum_sc(n):
    per_w = n // _SC_NW
    nblk = per_w // _SC_BLK
    vpb = _SC_BLK // 16
    mesh = plsc.VectorSubcoreMesh(core_axis_name="c", subcore_axis_name="s")

    @functools.partial(
        pl.kernel, mesh=mesh,
        out_type=jax.ShapeDtypeStruct((_SC_NW, 16), jnp.float32),
        scratch_types=[pltpu.VMEM((_SC_BLK,), jnp.float32),
                       pltpu.VMEM((16,), jnp.float32)],
    )
    def _softplus_sum(x_hbm, out_hbm, buf, accv):
        wid = lax.axis_index("s") * 2 + lax.axis_index("c")
        base = wid * per_w
        accv[...] = jnp.zeros((16,), jnp.float32)
        for b in range(nblk):
            pltpu.sync_copy(x_hbm.at[pl.ds(base + b * _SC_BLK, _SC_BLK)], buf)

            def body(i, acc):
                v = buf[pl.ds(i * 16, 16)]
                z = jnp.exp(-jnp.abs(v))
                p = jnp.float32(_LOG1P_C[-1])
                for c in _LOG1P_C[-2::-1]:
                    p = p * z + jnp.float32(c)
                return acc + (jnp.maximum(v, 0.0) + p)

            accv[...] = lax.fori_loop(0, vpb, body, accv[...])
        pltpu.sync_copy(accv, out_hbm.at[wid])

    return _softplus_sum


def _yolo_kernel(pcls_ref, pbox_ref, tbox_ref, tcls_ref, anch_ref, out_ref):
    f32 = jnp.float32
    pc = pcls_ref[0]
    pbT = pbox_ref[0]
    tb = tbox_ref[0]
    tc = tcls_ref[0]
    anc = anch_ref[...]
    A, C = pc.shape
    T = tb.shape[0]

    ax = anc[0:1, :]
    ay = anc[1:2, :]
    tx1 = tb[:, 0:1]
    ty1 = tb[:, 1:2]
    tx2 = tb[:, 2:3]
    ty2 = tb[:, 3:4]
    px1 = pbT[0:1, :]
    py1 = pbT[1:2, :]
    px2 = pbT[2:3, :]
    py2 = pbT[3:4, :]

    valid = (tx1 < ax) & (ax < tx2) & (ty1 < ay) & (ay < ty2)

    x1 = jnp.maximum(tx1, px1)
    y1 = jnp.maximum(ty1, py1)
    x2 = jnp.minimum(tx2, px2)
    y2 = jnp.minimum(ty2, py2)
    inter = jnp.maximum(x2 - x1, 0.0) * jnp.maximum(y2 - y1, 0.0)
    a_t = (tx2 - tx1) * (ty2 - ty1)
    a_p = (px2 - px1) * (py2 - py1)
    union = (a_t + a_p) - inter
    iou = inter / (union + _EPS)
    ctx = (tx1 + tx2) * 0.5
    cty = (ty1 + ty2) * 0.5
    cax = (px1 + px2) * 0.5
    cay = (py1 + py2) * 0.5
    ct = jnp.concatenate([ctx, cty], axis=1)
    ca2 = jnp.concatenate([cax, cay], axis=0)
    cdot = lax.dot_general(ct, ca2, (((1,), (0,)), ((), ())),
                           preferred_element_type=f32)
    tn2 = ctx * ctx + cty * cty
    an2 = cax * cax + cay * cay
    cent = (tn2 + an2) - 2.0 * cdot
    cw = jnp.maximum(tx2, px2) - jnp.minimum(tx1, px1)
    chh = jnp.maximum(ty2, py2) - jnp.minimum(ty1, py1)
    diag = cw * cw + chh * chh + _EPS
    diou = iou - cent / diag
    at_t = _atan_pos((tx2 - tx1) / (ty2 - ty1 + _EPS))
    at_a = _atan_pos((px2 - px1) / (py2 - py1 + _EPS))
    arct = at_t - at_a
    v = (4.0 / (math.pi ** 2)) * arct * arct
    alpha = v / (v - iou + 1.0 + _EPS)
    iou_mat = jnp.maximum(diou - alpha * v, 0.0)

    cls_iota = lax.broadcasted_iota(jnp.int32, (C, T), 0)
    onehot_ct = (jnp.broadcast_to(tc, (C, T)) == cls_iota).astype(f32)
    logit_mat = lax.dot_general(onehot_ct, pc, (((0,), (1,)), ((), ())),
                                preferred_element_type=f32)
    sqrt_cls = lax.rsqrt(1.0 + jnp.exp(-logit_mat))

    i2 = iou_mat * iou_mat
    tm0 = jnp.where(valid, i2 * i2 * i2 * sqrt_cls, 0.0)

    m = jnp.max(tm0, axis=1, keepdims=True)
    max_target = m
    for _ in range(_TOPK - 1):
        m = jnp.max(jnp.where(tm0 < m, tm0, -1.0), axis=1, keepdims=True)
    thr = m

    thr_eff = jnp.maximum(thr, 1e-30)
    mask = tm0 >= thr_eff
    tm = jnp.where(mask, tm0, 0.0)
    max_iou = jnp.max(jnp.where(mask, iou_mat, 0.0), axis=1, keepdims=True)
    ratio = max_iou / (max_target + _EPS)

    colmax = jnp.max(tm, axis=0, keepdims=True)
    t_iota = lax.broadcasted_iota(jnp.int32, (T, A), 0)
    tstar = jnp.min(jnp.where(tm == colmax, t_iota, T), axis=0, keepdims=True)
    assign = (t_iota == tstar).astype(f32)

    feats = jnp.concatenate([tx1, ty1, tx2, ty2, ratio], axis=1)
    g = lax.dot_general(feats, assign, (((0,), (0,)), ((), ())),
                        preferred_element_type=f32)
    w = colmax * g[4:5, :]

    glogit = jnp.sum(logit_mat * assign, axis=0, keepdims=True)
    s2 = jnp.sum(glogit * w)
    sumw = jnp.sum(w)

    iou_pa = _ciou(px1, py1, px2, py2, g[0:1, :], g[1:2, :],
                   g[2:3, :], g[3:4, :])
    iou_num = jnp.sum((1.0 - iou_pa) * w)

    r_iota = lax.broadcasted_iota(jnp.int32, (8, 128), 0)
    vec = (jnp.where(r_iota == 1, s2, 0.0)
           + jnp.where(r_iota == 2, sumw, 0.0)
           + jnp.where(r_iota == 3, iou_num, 0.0))
    out_ref[0] = vec


def kernel(predicts_cls, predicts_bbox, targets_bbox, targets_cls, anchors):
    B, A, C = predicts_cls.shape
    T = targets_bbox.shape[1]
    f32 = jnp.float32

    pboxT = jnp.transpose(predicts_bbox, (0, 2, 1))
    ancT = jnp.transpose(anchors, (1, 0))
    tcls = targets_cls.astype(jnp.int32).reshape(B, 1, T)

    s1_parts = _make_softplus_sum_sc(B * A * C)(
        predicts_cls.reshape(B * A * C))

    parts = pl.pallas_call(
        _yolo_kernel,
        grid=(B,),
        in_specs=[
            pl.BlockSpec((1, A, C), lambda b: (b, 0, 0)),
            pl.BlockSpec((1, 4, A), lambda b: (b, 0, 0)),
            pl.BlockSpec((1, T, 4), lambda b: (b, 0, 0)),
            pl.BlockSpec((1, 1, T), lambda b: (b, 0, 0)),
            pl.BlockSpec((2, A), lambda b: (0, 0)),
        ],
        out_specs=pl.BlockSpec((1, 8, 128), lambda b: (b, 0, 0)),
        out_shape=jax.ShapeDtypeStruct((B, 8, 128), f32),
        compiler_params=pltpu.CompilerParams(
            dimension_semantics=("parallel",)),
    )(predicts_cls, pboxT, targets_bbox, tcls, ancT)

    p = parts[:, :4, 0]
    s1 = jnp.sum(s1_parts)
    s2 = jnp.sum(p[:, 1])
    sumw = jnp.sum(p[:, 2])
    iou_num = jnp.sum(p[:, 3])
    cls_norm = jnp.maximum(sumw, _EPS)
    return (0.5 * (s1 - s2) + 7.5 * iou_num) / cls_norm

# --- scband reference (transcript-rebuilt; emitter-appended) ---
"""Pipeline reference for scband-yolov9-criterion-21414706937859 (READ-ONLY COPY).

The authoritative reference and input builder live on the scoring server;
editing this copy changes nothing except your own understanding.
"""

import math
import jax, jax.numpy as jnp
import numpy as np


def bbox_ciou(b1, b2):
    eps = 1e-09
    x1 = jnp.maximum(b1[..., 0], b2[..., 0])
    y1 = jnp.maximum(b1[..., 1], b2[..., 1])
    x2 = jnp.minimum(b1[..., 2], b2[..., 2])
    y2 = jnp.minimum(b1[..., 3], b2[..., 3])
    inter = jnp.clip(x2 - x1, 0.0, None) * jnp.clip(y2 - y1, 0.0, None)
    a1 = (b1[..., 2] - b1[..., 0]) * (b1[..., 3] - b1[..., 1])
    a2 = (b2[..., 2] - b2[..., 0]) * (b2[..., 3] - b2[..., 1])
    union = a1 + a2 - inter
    iou = inter / (union + eps)
    cx1 = (b1[..., 2] + b1[..., 0]) / 2
    cy1 = (b1[..., 3] + b1[..., 1]) / 2
    cx2 = (b2[..., 2] + b2[..., 0]) / 2
    cy2 = (b2[..., 3] + b2[..., 1]) / 2
    cent = (cx1 - cx2) ** 2 + (cy1 - cy2) ** 2
    cw = jnp.maximum(b1[..., 2], b2[..., 2]) - jnp.minimum(b1[..., 0], b2[..., 0])
    ch = jnp.maximum(b1[..., 3], b2[..., 3]) - jnp.minimum(b1[..., 1], b2[..., 1])
    diag = cw ** 2 + ch ** 2 + eps
    diou = iou - cent / diag
    arct = jnp.arctan((b1[..., 2] - b1[..., 0]) / (b1[..., 3] - b1[..., 1] + eps)) - jnp.arctan((b2[..., 2] - b2[..., 0]) / (b2[..., 3] - b2[..., 1] + eps))
    v = 4.0 / (math.pi ** 2) * arct ** 2
    alpha = v / (v - iou + 1.0 + eps)
    return diou - alpha * v


def _make_anchors(img=640, strides=(8, 16, 32)):
    pts = []
    for s in strides:
        n = img // s
        xs = (jnp.arange(n, dtype=jnp.float32) + 0.5) * s
        gy, gx = jnp.meshgrid(xs, xs, indexing='ij')
        pts.append(jnp.stack([gx.ravel(), gy.ravel()], axis=-1))
    return jnp.concatenate(pts, axis=0)


def _make_boxes(key, shape, max_size):
    kc, ks = jax.random.split(key)
    centers = jax.random.uniform(kc, shape[:-1] + (2,)) * 608.0 + 16.0
    sizes = jax.random.uniform(ks, shape[:-1] + (2,)) * (max_size - 8.0) + 8.0
    xy1 = jnp.clip(centers - sizes / 2, 0.0, 640.0)
    xy2 = jnp.clip(centers + sizes / 2, 0.0, 640.0)
    return jnp.concatenate([xy1, xy2], axis=-1)


def setup_inputs(seed: int = 0) -> dict:
    key = jax.random.key(seed)
    k1, k2, k3, k4 = jax.random.split(key, 4)
    B, A, C, T = 8, 8400, 80, 100
    predicts_cls = jax.random.normal(k1, (B, A, C), dtype=jnp.float32)
    predicts_bbox = _make_boxes(k2, (B, A, 4), 128.0)
    targets_bbox = _make_boxes(k3, (B, T, 4), 256.0)
    targets_cls = jax.random.randint(k4, (B, T), 0, C).astype(jnp.int64)
    anchors = _make_anchors()
    return {'predicts_cls': predicts_cls, 'predicts_bbox': predicts_bbox, 'targets_bbox': targets_bbox, 'targets_cls': targets_cls, 'anchors': anchors}


def reference(predicts_cls, predicts_bbox, targets_bbox, targets_cls, anchors):
    topk = 10
    B, A, C = predicts_cls.shape
    T = targets_bbox.shape[1]
    f32 = predicts_cls.dtype
    # BoxMatcher.get_valid_matrix: anchor center inside target box -> (B,T,A)
    tb = targets_bbox[:, :, None, :]
    ax = anchors[None, None, :, 0]
    ay = anchors[None, None, :, 1]
    valid = (tb[..., 0] < ax) & (ax < tb[..., 2]) & (tb[..., 1] < ay) & (ay < tb[..., 3])
    # get_iou_matrix: ciou(target, predict) clamped -> (B,T,A)
    iou_mat = jnp.clip(bbox_ciou(targets_bbox[:, :, None, :], predicts_bbox[:, None, :, :]), 0.0, 1.0)
    # get_cls_matrix: sigmoid(pred_cls) gathered at target class -> (B,T,A)
    pc = jax.nn.sigmoid(predicts_cls)
    pcT = jnp.transpose(pc, (0, 2, 1))
    idx = jnp.broadcast_to(targets_cls.astype(jnp.int32)[:, :, None], (B, T, A))
    cls_mat = jnp.take_along_axis(pcT, idx, axis=1)
    # suitability: iou^6 * cls^0.5, masked by validity
    target_matrix = (iou_mat ** 6.0) * (cls_mat ** 0.5) * valid.astype(f32)
    # filter_topk: keep top-k anchors per target (scatter back + mask)
    vals, inds = jax.lax.top_k(target_matrix, topk)
    bi = jnp.arange(B)[:, None, None]
    ti = jnp.arange(T)[None, :, None]
    topk_targets = jnp.zeros_like(target_matrix).at[bi, ti, inds].set(vals)
    topk_mask = topk_targets > 0
    masks = valid & topk_mask
    tm = target_matrix * masks.astype(f32)
    # filter_duplicates: each anchor -> target with max suitability
    unique_idx = jnp.argmax(tm, axis=1)
    valid_mask = jnp.any(masks, axis=1)
    bidx = jnp.arange(B)[:, None]
    align_bbox = targets_bbox[bidx, unique_idx]
    align_cls_idx = targets_cls[bidx, unique_idx]
    align_cls = jax.nn.one_hot(align_cls_idx, C, dtype=f32)
    # alignment normalization
    max_target = tm.max(axis=-1, keepdims=True)
    max_iou = (iou_mat * masks.astype(f32)).max(axis=-1, keepdims=True)
    norm = tm * max_iou / (max_target + 1e-09)
    norm_pa = jnp.take_along_axis(norm, unique_idx[:, None, :], axis=1)[:, 0, :]
    tgt_cls = align_cls * norm_pa[..., None] * valid_mask[..., None].astype(f32)
    cls_norm = jnp.maximum(tgt_cls.sum(), 1e-09)
    box_norm = tgt_cls.sum(-1)
    # BCELoss (with logits, sum / cls_norm)
    x = predicts_cls
    t = tgt_cls
    bce = jnp.maximum(x, 0.0) - x * t + jnp.log1p(jnp.exp(-jnp.abs(x)))
    loss_cls = bce.sum() / cls_norm
    # BoxLoss: 1 - ciou on matched anchors, weighted by box_norm
    iou_pa = bbox_ciou(predicts_bbox, align_bbox)
    loss_iou = ((1.0 - iou_pa) * box_norm * valid_mask.astype(f32)).sum() / cls_norm
    return 0.5 * loss_cls + 7.5 * loss_iou

if __name__ == "__main__":
    import jax
    _d = setup_inputs()
    print(jax.jit(kernel)(*tuple(_d.values())))

</pallas_src>

<mosaic_0001>
#map = affine_map<(d0, d1) -> (0)>
#map1 = affine_map<(d0, d1) -> (0, 0)>
module attributes {stable_mosaic.version = 14 : i64} {
  func.func @_softplus_sum(%arg0: i32, %arg1: i32, %arg2: memref<5376000xf32, #tpu.memory_space<hbm>>, %arg3: memref<32x16xf32, #tpu.memory_space<hbm>>, %arg4: memref<28000xf32, #tpu.memory_space<vmem>>, %arg5: memref<16xf32, #tpu.memory_space<vmem>>) attributes {dimension_semantics = [#tpu.dimension_semantics<core_parallel>, #tpu.dimension_semantics<subcore_parallel>], iteration_bounds = array<i64: 2, 16>, scalar_prefetch = 0 : i64, scratch_operands = 2 : i64, tpu.core_type = #tpu.core_type<sc_vector_subcore>, window_params = [{transform_indices = #map}, {transform_indices = #map1}]} {
    %mul3A = arith.constant 2 : i32
    %mul3A_0 = arith.muli %arg1, %mul3A : i32
    %add3A = arith.addi %mul3A_0, %arg0 : i32
    %mul3A_1 = arith.constant 168000 : i32
    %mul3A_2 = arith.muli %add3A, %mul3A_1 : i32
    %broadcast_in_dim3A = arith.constant 0.000000e+00 : f32
    %broadcast_in_dim3A_3 = vector.broadcast %broadcast_in_dim3A : f32 to vector<16xf32>
    %swap3A = arith.constant 0 : index
    %swap3A_4 = tpu.vector_load %arg5[%swap3A] {strides = array<i32>} : memref<16xf32, #tpu.memory_space<vmem>>, vector<16xf32>,
    %swap3A_5 = vector.shape_cast %swap3A_4 : vector<16xf32> to vector<16xf32>
    %swap3A_6 = vector.shape_cast %broadcast_in_dim3A_3 : vector<16xf32> to vector<16xf32>
    tpu.vector_store %arg5[%swap3A], %swap3A_6 {strides = array<i32>} : memref<16xf32, #tpu.memory_space<vmem>>, vector<16xf32>,
    %add3A_7 = arith.constant 0 : i32
    %add3A_8 = arith.addi %mul3A_2, %add3A_7 : i32
    "tpu.region"() ({
      %run_scoped3A = tpu.sem_alloc : memref<!tpu.dma_semaphore, #tpu.memory_space<semaphore_mem>>
      %dma_start3A = tpu.memref_slice %arg2[%add3A_8] : memref<5376000xf32, #tpu.memory_space<hbm>> -> memref<28000xf32, #tpu.memory_space<hbm>>
      %dma_start3A_95 = tpu.memref_slice %arg2[%add3A_8] : memref<5376000xf32, #tpu.memory_space<hbm>> -> memref<28000xf32, #tpu.memory_space<hbm>>
      tpu.enqueue_dma source(%dma_start3A_95 : memref<28000xf32, #tpu.memory_space<hbm>>) target(%arg4 : memref<28000xf32, #tpu.memory_space<vmem>>) target_semaphore(%run_scoped3A : memref<!tpu.dma_semaphore, #tpu.memory_space<semaphore_mem>>)
      %dma_wait3A = tpu.memref_slice %arg2[%add3A_8] : memref<5376000xf32, #tpu.memory_space<hbm>> -> memref<28000xf32, #tpu.memory_space<hbm>>
      %dma_wait3A_96 = tpu.memref_slice %arg2[%add3A_8] : memref<5376000xf32, #tpu.memory_space<hbm>> -> memref<28000xf32, #tpu.memory_space<hbm>>
      tpu.wait_dma2 semaphore(%run_scoped3A : memref<!tpu.dma_semaphore, #tpu.memory_space<semaphore_mem>>) src(%dma_wait3A_96 : memref<28000xf32, #tpu.memory_space<hbm>>) dst(%arg4 : memref<28000xf32, #tpu.memory_space<vmem>>)
      tpu.yield
    }) : () -> ()
    %get3A = arith.constant 0 : index
    %get3A_9 = tpu.vector_load %arg5[%get3A] {strides = array<i32>} : memref<16xf32, #tpu.memory_space<vmem>>, vector<16xf32>,
    %get3A_10 = vector.shape_cast %get3A_9 : vector<16xf32> to vector<16xf32>
    %scan3A = arith.constant 0 : i32
    %scan3A_11 = arith.constant 1750 : i32
    %scan3A_12 = arith.addi %scan3A, %scan3A_11 : i32
    %scan3A_13 = arith.constant 1 : i32
    %scan3A_14 = scf.for %scan3A_95 = %scan3A to %scan3A_12 step %scan3A_13 iter_args(%scan3A_96 = %get3A_10) -> (vector<16xf32>)  : i32 {
      %mul3A_97 = arith.constant 16 : i32
      %mul3A_98 = arith.muli %scan3A_95, %mul3A_97 : i32
      %get3A_99 = arith.index_cast %mul3A_98 : i32 to index
      %get3A_100 = tpu.vector_load %arg4[%get3A_99] {strides = array<i32>} : memref<28000xf32, #tpu.memory_space<vmem>>, vector<16xf32>,
      %get3A_101 = vector.shape_cast %get3A_100 : vector<16xf32> to vector<16xf32>
      %abs3A = math.absf %get3A_101 : vector<16xf32>
      %neg3A = arith.constant 0.000000e+00 : f32
      %neg3A_102 = vector.broadcast %neg3A : f32 to vector<16xf32>
      %neg3A_103 = arith.subf %neg3A_102, %abs3A : vector<16xf32>
      %exp3A = math.exp %neg3A_103 : vector<16xf32>
      %mul3A_104 = arith.constant -0.00607475266 : f32
      %mul3A_105 = vector.broadcast %mul3A_104 : f32 to vector<16xf32>
      %mul3A_106 = arith.mulf %mul3A_105, %exp3A : vector<16xf32>
      %add3A_107 = arith.constant 0.0344179124 : f32
      %add3A_108 = vector.broadcast %add3A_107 : f32 to vector<16xf32>
      %add3A_109 = arith.addf %mul3A_106, %add3A_108 : vector<16xf32>
      %mul3A_110 = arith.mulf %add3A_109, %exp3A : vector<16xf32>
      %add3A_111 = arith.constant -0.0923123061 : f32
      %add3A_112 = vector.broadcast %add3A_111 : f32 to vector<16xf32>
      %add3A_113 = arith.addf %mul3A_110, %add3A_112 : vector<16xf32>
      %mul3A_114 = arith.mulf %add3A_113, %exp3A : vector<16xf32>
      %add3A_115 = arith.constant 0.164781883 : f32
      %add3A_116 = vector.broadcast %add3A_115 : f32 to vector<16xf32>
      %add3A_117 = arith.addf %mul3A_114, %add3A_116 : vector<16xf32>
      %mul3A_118 = arith.mulf %add3A_117, %exp3A : vector<16xf32>
      %add3A_119 = arith.constant -0.239189729 : f32
      %add3A_120 = vector.broadcast %add3A_119 : f32 to vector<16xf32>
      %add3A_121 = arith.addf %mul3A_118, %add3A_120 : vector<16xf32>
      %mul3A_122 = arith.mulf %add3A_121, %exp3A : vector<16xf32>
      %add3A_123 = arith.constant 0.331333667 : f32
      %add3A_124 = vector.broadcast %add3A_123 : f32 to vector<16xf32>
      %add3A_125 = arith.addf %mul3A_122, %add3A_124 : vector<16xf32>
      %mul3A_126 = arith.mulf %add3A_125, %exp3A : vector<16xf32>
      %add3A_127 = arith.constant -0.499801099 : f32
      %add3A_128 = vector.broadcast %add3A_127 : f32 to vector<16xf32>
      %add3A_129 = arith.addf %mul3A_126, %add3A_128 : vector<16xf32>
      %mul3A_130 = arith.mulf %add3A_129, %exp3A : vector<16xf32>
      %add3A_131 = arith.constant 0.999991476 : f32
      %add3A_132 = vector.broadcast %add3A_131 : f32 to vector<16xf32>
      %add3A_133 = arith.addf %mul3A_130, %add3A_132 : vector<16xf32>
      %mul3A_134 = arith.mulf %add3A_133, %exp3A : vector<16xf32>
      %add3A_135 = arith.constant 9.09903334E-8 : f32
      %add3A_136 = vector.broadcast %add3A_135 : f32 to vector<16xf32>
      %add3A_137 = arith.addf %mul3A_134, %add3A_136 : vector<16xf32>
      %max3A = arith.constant 0.000000e+00 : f32
      %max3A_138 = vector.broadcast %max3A : f32 to vector<16xf32>
      %max3A_139 = arith.maximumf %get3A_101, %max3A_138 : vector<16xf32>
      %add3A_140 = arith.addf %max3A_139, %add3A_137 : vector<16xf32>
      %add3A_141 = arith.addf %scan3A_96, %add3A_140 : vector<16xf32>
      scf.yield %add3A_141 : vector<16xf32>
    }
    %scan3A_15 = arith.constant 1750 : i32
    %swap3A_16 = arith.constant 0 : index
    %swap3A_17 = tpu.vector_load %arg5[%swap3A_16] {strides = array<i32>} : memref<16xf32, #tpu.memory_space<vmem>>, vector<16xf32>,
    %swap3A_18 = vector.shape_cast %swap3A_17 : vector<16xf32> to vector<16xf32>
    %swap3A_19 = vector.shape_cast %scan3A_14 : vector<16xf32> to vector<16xf32>
    tpu.vector_store %arg5[%swap3A_16], %swap3A_19 {strides = array<i32>} : memref<16xf32, #tpu.memory_space<vmem>>, vector<16xf32>,
    %add3A_20 = arith.constant 28000 : i32
    %add3A_21 = arith.addi %mul3A_2, %add3A_20 : i32
    "tpu.region"() ({
      %run_scoped3A = tpu.sem_alloc : memref<!tpu.dma_semaphore, #tpu.memory_space<semaphore_mem>>
      %dma_start3A = tpu.memref_slice %arg2[%add3A_21] : memref<5376000xf32, #tpu.memory_space<hbm>> -> memref<28000xf32, #tpu.memory_space<hbm>>
      %dma_start3A_95 = tpu.memref_slice %arg2[%add3A_21] : memref<5376000xf32, #tpu.memory_space<hbm>> -> memref<28000xf32, #tpu.memory_space<hbm>>
      tpu.enqueue_dma source(%dma_start3A_95 : memref<28000xf32, #tpu.memory_space<hbm>>) target(%arg4 : memref<28000xf32, #tpu.memory_space<vmem>>) target_semaphore(%run_scoped3A : memref<!tpu.dma_semaphore, #tpu.memory_space<semaphore_mem>>)
      %dma_wait3A = tpu.memref_slice %arg2[%add3A_21] : memref<5376000xf32, #tpu.memory_space<hbm>> -> memref<28000xf32, #tpu.memory_space<hbm>>
      %dma_wait3A_96 = tpu.memref_slice %arg2[%add3A_21] : memref<5376000xf32, #tpu.memory_space<hbm>> -> memref<28000xf32, #tpu.memory_space<hbm>>
      tpu.wait_dma2 semaphore(%run_scoped3A : memref<!tpu.dma_semaphore, #tpu.memory_space<semaphore_mem>>) src(%dma_wait3A_96 : memref<28000xf32, #tpu.memory_space<hbm>>) dst(%arg4 : memref<28000xf32, #tpu.memory_space<vmem>>)
      tpu.yield
    }) : () -> ()
    %get3A_22 = arith.constant 0 : index
    %get3A_23 = tpu.vector_load %arg5[%get3A_22] {strides = array<i32>} : memref<16xf32, #tpu.memory_space<vmem>>, vector<16xf32>,
    %get3A_24 = vector.shape_cast %get3A_23 : vector<16xf32> to vector<16xf32>
    %scan3A_25 = arith.constant 0 : i32
    %scan3A_26 = arith.constant 1750 : i32
    %scan3A_27 = arith.addi %scan3A_25, %scan3A_26 : i32
    %scan3A_28 = arith.constant 1 : i32
    %scan3A_29 = scf.for %scan3A_95 = %scan3A_25 to %scan3A_27 step %scan3A_28 iter_args(%scan3A_96 = %get3A_24) -> (vector<16xf32>)  : i32 {
      %mul3A_97 = arith.constant 16 : i32
      %mul3A_98 = arith.muli %scan3A_95, %mul3A_97 : i32
      %get3A_99 = arith.index_cast %mul3A_98 : i32 to index
      %get3A_100 = tpu.vector_load %arg4[%get3A_99] {strides = array<i32>} : memref<28000xf32, #tpu.memory_space<vmem>>, vector<16xf32>,
      %get3A_101 = vector.shape_cast %get3A_100 : vector<16xf32> to vector<16xf32>
      %abs3A = math.absf %get3A_101 : vector<16xf32>
      %neg3A = arith.constant 0.000000e+00 : f32
      %neg3A_102 = vector.broadcast %neg3A : f32 to vector<16xf32>
      %neg3A_103 = arith.subf %neg3A_102, %abs3A : vector<16xf32>
      %exp3A = math.exp %neg3A_103 : vector<16xf32>
      %mul3A_104 = arith.constant -0.00607475266 : f32
      %mul3A_105 = vector.broadcast %mul3A_104 : f32 to vector<16xf32>
      %mul3A_106 = arith.mulf %mul3A_105, %exp3A : vector<16xf32>
      %add3A_107 = arith.constant 0.0344179124 : f32
      %add3A_108 = vector.broadcast %add3A_107 : f32 to vector<16xf32>
      %add3A_109 = arith.addf %mul3A_106, %add3A_108 : vector<16xf32>
      %mul3A_110 = arith.mulf %add3A_109, %exp3A : vector<16xf32>
      %add3A_111 = arith.constant -0.0923123061 : f32
      %add3A_112 = vector.broadcast %add3A_111 : f32 to vector<16xf32>
      %add3A_113 = arith.addf %mul3A_110, %add3A_112 : vector<16xf32>
      %mul3A_114 = arith.mulf %add3A_113, %exp3A : vector<16xf32>
      %add3A_115 = arith.constant 0.164781883 : f32
      %add3A_116 = vector.broadcast %add3A_115 : f32 to vector<16xf32>
      %add3A_117 = arith.addf %mul3A_114, %add3A_116 : vector<16xf32>
      %mul3A_118 = arith.mulf %add3A_117, %exp3A : vector<16xf32>
      %add3A_119 = arith.constant -0.239189729 : f32
      %add3A_120 = vector.broadcast %add3A_119 : f32 to vector<16xf32>
      %add3A_121 = arith.addf %mul3A_118, %add3A_120 : vector<16xf32>
      %mul3A_122 = arith.mulf %add3A_121, %exp3A : vector<16xf32>
      %add3A_123 = arith.constant 0.331333667 : f32
      %add3A_124 = vector.broadcast %add3A_123 : f32 to vector<16xf32>
      %add3A_125 = arith.addf %mul3A_122, %add3A_124 : vector<16xf32>
      %mul3A_126 = arith.mulf %add3A_125, %exp3A : vector<16xf32>
      %add3A_127 = arith.constant -0.499801099 : f32
      %add3A_128 = vector.broadcast %add3A_127 : f32 to vector<16xf32>
      %add3A_129 = arith.addf %mul3A_126, %add3A_128 : vector<16xf32>
      %mul3A_130 = arith.mulf %add3A_129, %exp3A : vector<16xf32>
      %add3A_131 = arith.constant 0.999991476 : f32
      %add3A_132 = vector.broadcast %add3A_131 : f32 to vector<16xf32>
      %add3A_133 = arith.addf %mul3A_130, %add3A_132 : vector<16xf32>
      %mul3A_134 = arith.mulf %add3A_133, %exp3A : vector<16xf32>
      %add3A_135 = arith.constant 9.09903334E-8 : f32
      %add3A_136 = vector.broadcast %add3A_135 : f32 to vector<16xf32>
      %add3A_137 = arith.addf %mul3A_134, %add3A_136 : vector<16xf32>
      %max3A = arith.constant 0.000000e+00 : f32
      %max3A_138 = vector.broadcast %max3A : f32 to vector<16xf32>
      %max3A_139 = arith.maximumf %get3A_101, %max3A_138 : vector<16xf32>
      %add3A_140 = arith.addf %max3A_139, %add3A_137 : vector<16xf32>
      %add3A_141 = arith.addf %scan3A_96, %add3A_140 : vector<16xf32>
      scf.yield %add3A_141 : vector<16xf32>
    }
    %scan3A_30 = arith.constant 1750 : i32
    %swap3A_31 = arith.constant 0 : index
    %swap3A_32 = tpu.vector_load %arg5[%swap3A_31] {strides = array<i32>} : memref<16xf32, #tpu.memory_space<vmem>>, vector<16xf32>,
    %swap3A_33 = vector.shape_cast %swap3A_32 : vector<16xf32> to vector<16xf32>
    %swap3A_34 = vector.shape_cast %scan3A_29 : vector<16xf32> to vector<16xf32>
    tpu.vector_store %arg5[%swap3A_31], %swap3A_34 {strides = array<i32>} : memref<16xf32, #tpu.memory_space<vmem>>, vector<16xf32>,
    %add3A_35 = arith.constant 56000 : i32
    %add3A_36 = arith.addi %mul3A_2, %add3A_35 : i32
    "tpu.region"() ({
      %run_scoped3A = tpu.sem_alloc : memref<!tpu.dma_semaphore, #tpu.memory_space<semaphore_mem>>
      %dma_start3A = tpu.memref_slice %arg2[%add3A_36] : memref<5376000xf32, #tpu.memory_space<hbm>> -> memref<28000xf32, #tpu.memory_space<hbm>>
      %dma_start3A_95 = tpu.memref_slice %arg2[%add3A_36] : memref<5376000xf32, #tpu.memory_space<hbm>> -> memref<28000xf32, #tpu.memory_space<hbm>>
      tpu.enqueue_dma source(%dma_start3A_95 : memref<28000xf32, #tpu.memory_space<hbm>>) target(%arg4 : memref<28000xf32, #tpu.memory_space<vmem>>) target_semaphore(%run_scoped3A : memref<!tpu.dma_semaphore, #tpu.memory_space<semaphore_mem>>)
      %dma_wait3A = tpu.memref_slice %arg2[%add3A_36] : memref<5376000xf32, #tpu.memory_space<hbm>> -> memref<28000xf32, #tpu.memory_space<hbm>>
      %dma_wait3A_96 = tpu.memref_slice %arg2[%add3A_36] : memref<5376000xf32, #tpu.memory_space<hbm>> -> memref<28000xf32, #tpu.memory_space<hbm>>
      tpu.wait_dma2 semaphore(%run_scoped3A : memref<!tpu.dma_semaphore, #tpu.memory_space<semaphore_mem>>) src(%dma_wait3A_96 : memref<28000xf32, #tpu.memory_space<hbm>>) dst(%arg4 : memref<28000xf32, #tpu.memory_space<vmem>>)
      tpu.yield
    }) : () -> ()
    %get3A_37 = arith.constant 0 : index
    %get3A_38 = tpu.vector_load %arg5[%get3A_37] {strides = array<i32>} : memref<16xf32, #tpu.memory_space<vmem>>, vector<16xf32>,
    %get3A_39 = vector.shape_cast %get3A_38 : vector<16xf32> to vector<16xf32>
    %scan3A_40 = arith.constant 0 : i32
    %scan3A_41 = arith.constant 1750 : i32
    %scan3A_42 = arith.addi %scan3A_40, %scan3A_41 : i32
    %scan3A_43 = arith.constant 1 : i32
    %scan3A_44 = scf.for %scan3A_95 = %scan3A_40 to %scan3A_42 step %scan3A_43 iter_args(%scan3A_96 = %get3A_39) -> (vector<16xf32>)  : i32 {
      %mul3A_97 = arith.constant 16 : i32
      %mul3A_98 = arith.muli %scan3A_95, %mul3A_97 : i32
      %get3A_99 = arith.index_cast %mul3A_98 : i32 to index
      %get3A_100 = tpu.vector_load %arg4[%get3A_99] {strides = array<i32>} : memref<28000xf32, #tpu.memory_space<vmem>>, vector<16xf32>,
      %get3A_101 = vector.shape_cast %get3A_100 : vector<16xf32> to vector<16xf32>
      %abs3A = math.absf %get3A_101 : vector<16xf32>
      %neg3A = arith.constant 0.000000e+00 : f32
      %neg3A_102 = vector.broadcast %neg3A : f32 to vector<16xf32>
      %neg3A_103 = arith.subf %neg3A_102, %abs3A : vector<16xf32>
      %exp3A = math.exp %neg3A_103 : vector<16xf32>
      %mul3A_104 = arith.constant -0.00607475266 : f32
      %mul3A_105 = vector.broadcast %mul3A_104 : f32 to vector<16xf32>
      %mul3A_106 = arith.mulf %mul3A_105, %exp3A : vector<16xf32>
      %add3A_107 = arith.constant 0.0344179124 : f32
      %add3A_108 = vector.broadcast %add3A_107 : f32 to vector<16xf32>
      %add3A_109 = arith.addf %mul3A_106, %add3A_108 : vector<16xf32>
      %mul3A_110 = arith.mulf %add3A_109, %exp3A : vector<16xf32>
      %add3A_111 = arith.constant -0.0923123061 : f32
      %add3A_112 = vector.broadcast %add3A_111 : f32 to vector<16xf32>
      %add3A_113 = arith.addf %mul3A_110, %add3A_112 : vector<16xf32>
      %mul3A_114 = arith.mulf %add3A_113, %exp3A : vector<16xf32>
      %add3A_115 = arith.constant 0.164781883 : f32
      %add3A_116 = vector.broadcast %add3A_115 : f32 to vector<16xf32>
      %add3A_117 = arith.addf %mul3A_114, %add3A_116 : vector<16xf32>
      %mul3A_118 = arith.mulf %add3A_117, %exp3A : vector<16xf32>
      %add3A_119 = arith.constant -0.239189729 : f32
      %add3A_120 = vector.broadcast %add3A_119 : f32 to vector<16xf32>
      %add3A_121 = arith.addf %mul3A_118, %add3A_120 : vector<16xf32>
      %mul3A_122 = arith.mulf %add3A_121, %exp3A : vector<16xf32>
      %add3A_123 = arith.constant 0.331333667 : f32
      %add3A_124 = vector.broadcast %add3A_123 : f32 to vector<16xf32>
      %add3A_125 = arith.addf %mul3A_122, %add3A_124 : vector<16xf32>
      %mul3A_126 = arith.mulf %add3A_125, %exp3A : vector<16xf32>
      %add3A_127 = arith.constant -0.499801099 : f32
      %add3A_128 = vector.broadcast %add3A_127 : f32 to vector<16xf32>
      %add3A_129 = arith.addf %mul3A_126, %add3A_128 : vector<16xf32>
      %mul3A_130 = arith.mulf %add3A_129, %exp3A : vector<16xf32>
      %add3A_131 = arith.constant 0.999991476 : f32
      %add3A_132 = vector.broadcast %add3A_131 : f32 to vector<16xf32>
      %add3A_133 = arith.addf %mul3A_130, %add3A_132 : vector<16xf32>
      %mul3A_134 = arith.mulf %add3A_133, %exp3A : vector<16xf32>
      %add3A_135 = arith.constant 9.09903334E-8 : f32
      %add3A_136 = vector.broadcast %add3A_135 : f32 to vector<16xf32>
      %add3A_137 = arith.addf %mul3A_134, %add3A_136 : vector<16xf32>
      %max3A = arith.constant 0.000000e+00 : f32
      %max3A_138 = vector.broadcast %max3A : f32 to vector<16xf32>
      %max3A_139 = arith.maximumf %get3A_101, %max3A_138 : vector<16xf32>
      %add3A_140 = arith.addf %max3A_139, %add3A_137 : vector<16xf32>
      %add3A_141 = arith.addf %scan3A_96, %add3A_140 : vector<16xf32>
      scf.yield %add3A_141 : vector<16xf32>
    }
    %scan3A_45 = arith.constant 1750 : i32
    %swap3A_46 = arith.constant 0 : index
    %swap3A_47 = tpu.vector_load %arg5[%swap3A_46] {strides = array<i32>} : memref<16xf32, #tpu.memory_space<vmem>>, vector<16xf32>,
    %swap3A_48 = vector.shape_cast %swap3A_47 : vector<16xf32> to vector<16xf32>
    %swap3A_49 = vector.shape_cast %scan3A_44 : vector<16xf32> to vector<16xf32>
    tpu.vector_store %arg5[%swap3A_46], %swap3A_49 {strides = array<i32>} : memref<16xf32, #tpu.memory_space<vmem>>, vector<16xf32>,
    %add3A_50 = arith.constant 84000 : i32
    %add3A_51 = arith.addi %mul3A_2, %add3A_50 : i32
    "tpu.region"() ({
      %run_scoped3A = tpu.sem_alloc : memref<!tpu.dma_semaphore, #tpu.memory_space<semaphore_mem>>
      %dma_start3A = tpu.memref_slice %arg2[%add3A_51] : memref<5376000xf32, #tpu.memory_space<hbm>> -> memref<28000xf32, #tpu.memory_space<hbm>>
      %dma_start3A_95 = tpu.memref_slice %arg2[%add3A_51] : memref<5376000xf32, #tpu.memory_space<hbm>> -> memref<28000xf32, #tpu.memory_space<hbm>>
      tpu.enqueue_dma source(%dma_start3A_95 : memref<28000xf32, #tpu.memory_space<hbm>>) target(%arg4 : memref<28000xf32, #tpu.memory_space<vmem>>) target_semaphore(%run_scoped3A : memref<!tpu.dma_semaphore, #tpu.memory_space<semaphore_mem>>)
      %dma_wait3A = tpu.memref_slice %arg2[%add3A_51] : memref<5376000xf32, #tpu.memory_space<hbm>> -> memref<28000xf32, #tpu.memory_space<hbm>>
      %dma_wait3A_96 = tpu.memref_slice %arg2[%add3A_51] : memref<5376000xf32, #tpu.memory_space<hbm>> -> memref<28000xf32, #tpu.memory_space<hbm>>
      tpu.wait_dma2 semaphore(%run_scoped3A : memref<!tpu.dma_semaphore, #tpu.memory_space<semaphore_mem>>) src(%dma_wait3A_96 : memref<28000xf32, #tpu.memory_space<hbm>>) dst(%arg4 : memref<28000xf32, #tpu.memory_space<vmem>>)
      tpu.yield
    }) : () -> ()
    %get3A_52 = arith.constant 0 : index
    %get3A_53 = tpu.vector_load %arg5[%get3A_52] {strides = array<i32>} : memref<16xf32, #tpu.memory_space<vmem>>, vector<16xf32>,
    %get3A_54 = vector.shape_cast %get3A_53 : vector<16xf32> to vector<16xf32>
    %scan3A_55 = arith.constant 0 : i32
    %scan3A_56 = arith.constant 1750 : i32
    %scan3A_57 = arith.addi %scan3A_55, %scan3A_56 : i32
    %scan3A_58 = arith.constant 1 : i32
    %scan3A_59 = scf.for %scan3A_95 = %scan3A_55 to %scan3A_57 step %scan3A_58 iter_args(%scan3A_96 = %get3A_54) -> (vector<16xf32>)  : i32 {
      %mul3A_97 = arith.constant 16 : i32
      %mul3A_98 = arith.muli %scan3A_95, %mul3A_97 : i32
      %get3A_99 = arith.index_cast %mul3A_98 : i32 to index
      %get3A_100 = tpu.vector_load %arg4[%get3A_99] {strides = array<i32>} : memref<28000xf32, #tpu.memory_space<vmem>>, vector<16xf32>,
      %get3A_101 = vector.shape_cast %get3A_100 : vector<16xf32> to vector<16xf32>
      %abs3A = math.absf %get3A_101 : vector<16xf32>
      %neg3A = arith.constant 0.000000e+00 : f32
      %neg3A_102 = vector.broadcast %neg3A : f32 to vector<16xf32>
      %neg3A_103 = arith.subf %neg3A_102, %abs3A : vector<16xf32>
      %exp3A = math.exp %neg3A_103 : vector<16xf32>
      %mul3A_104 = arith.constant -0.00607475266 : f32
      %mul3A_105 = vector.broadcast %mul3A_104 : f32 to vector<16xf32>
      %mul3A_106 = arith.mulf %mul3A_105, %exp3A : vector<16xf32>
      %add3A_107 = arith.constant 0.0344179124 : f32
      %add3A_108 = vector.broadcast %add3A_107 : f32 to vector<16xf32>
      %add3A_109 = arith.addf %mul3A_106, %add3A_108 : vector<16xf32>
      %mul3A_110 = arith.mulf %add3A_109, %exp3A : vector<16xf32>
      %add3A_111 = arith.constant -0.0923123061 : f32
      %add3A_112 = vector.broadcast %add3A_111 : f32 to vector<16xf32>
      %add3A_113 = arith.addf %mul3A_110, %add3A_112 : vector<16xf32>
      %mul3A_114 = arith.mulf %add3A_113, %exp3A : vector<16xf32>
      %add3A_115 = arith.constant 0.164781883 : f32
      %add3A_116 = vector.broadcast %add3A_115 : f32 to vector<16xf32>
      %add3A_117 = arith.addf %mul3A_114, %add3A_116 : vector<16xf32>
      %mul3A_118 = arith.mulf %add3A_117, %exp3A : vector<16xf32>
      %add3A_119 = arith.constant -0.239189729 : f32
      %add3A_120 = vector.broadcast %add3A_119 : f32 to vector<16xf32>
      %add3A_121 = arith.addf %mul3A_118, %add3A_120 : vector<16xf32>
      %mul3A_122 = arith.mulf %add3A_121, %exp3A : vector<16xf32>
      %add3A_123 = arith.constant 0.331333667 : f32
      %add3A_124 = vector.broadcast %add3A_123 : f32 to vector<16xf32>
      %add3A_125 = arith.addf %mul3A_122, %add3A_124 : vector<16xf32>
      %mul3A_126 = arith.mulf %add3A_125, %exp3A : vector<16xf32>
      %add3A_127 = arith.constant -0.499801099 : f32
      %add3A_128 = vector.broadcast %add3A_127 : f32 to vector<16xf32>
      %add3A_129 = arith.addf %mul3A_126, %add3A_128 : vector<16xf32>
      %mul3A_130 = arith.mulf %add3A_129, %exp3A : vector<16xf32>
      %add3A_131 = arith.constant 0.999991476 : f32
      %add3A_132 = vector.broadcast %add3A_131 : f32 to vector<16xf32>
      %add3A_133 = arith.addf %mul3A_130, %add3A_132 : vector<16xf32>
      %mul3A_134 = arith.mulf %add3A_133, %exp3A : vector<16xf32>
      %add3A_135 = arith.constant 9.09903334E-8 : f32
      %add3A_136 = vector.broadcast %add3A_135 : f32 to vector<16xf32>
      %add3A_137 = arith.addf %mul3A_134, %add3A_136 : vector<16xf32>
      %max3A = arith.constant 0.000000e+00 : f32
      %max3A_138 = vector.broadcast %max3A : f32 to vector<16xf32>
      %max3A_139 = arith.maximumf %get3A_101, %max3A_138 : vector<16xf32>
      %add3A_140 = arith.addf %max3A_139, %add3A_137 : vector<16xf32>
      %add3A_141 = arith.addf %scan3A_96, %add3A_140 : vector<16xf32>
      scf.yield %add3A_141 : vector<16xf32>
    }
    %scan3A_60 = arith.constant 1750 : i32
    %swap3A_61 = arith.constant 0 : index
    %swap3A_62 = tpu.vector_load %arg5[%swap3A_61] {strides = array<i32>} : memref<16xf32, #tpu.memory_space<vmem>>, vector<16xf32>,
    %swap3A_63 = vector.shape_cast %swap3A_62 : vector<16xf32> to vector<16xf32>
    %swap3A_64 = vector.shape_cast %scan3A_59 : vector<16xf32> to vector<16xf32>
    tpu.vector_store %arg5[%swap3A_61], %swap3A_64 {strides = array<i32>} : memref<16xf32, #tpu.memory_space<vmem>>, vector<16xf32>,
    %add3A_65 = arith.constant 112000 : i32
    %add3A_66 = arith.addi %mul3A_2, %add3A_65 : i32
    "tpu.region"() ({
      %run_scoped3A = tpu.sem_alloc : memref<!tpu.dma_semaphore, #tpu.memory_space<semaphore_mem>>
      %dma_start3A = tpu.memref_slice %arg2[%add3A_66] : memref<5376000xf32, #tpu.memory_space<hbm>> -> memref<28000xf32, #tpu.memory_space<hbm>>
      %dma_start3A_95 = tpu.memref_slice %arg2[%add3A_66] : memref<5376000xf32, #tpu.memory_space<hbm>> -> memref<28000xf32, #tpu.memory_space<hbm>>
      tpu.enqueue_dma source(%dma_start3A_95 : memref<28000xf32, #tpu.memory_space<hbm>>) target(%arg4 : memref<28000xf32, #tpu.memory_space<vmem>>) target_semaphore(%run_scoped3A : memref<!tpu.dma_semaphore, #tpu.memory_space<semaphore_mem>>)
      %dma_wait3A = tpu.memref_slice %arg2[%add3A_66] : memref<5376000xf32, #tpu.memory_space<hbm>> -> memref<28000xf32, #tpu.memory_space<hbm>>
      %dma_wait3A_96 = tpu.memref_slice %arg2[%add3A_66] : memref<5376000xf32, #tpu.memory_space<hbm>> -> memref<28000xf32, #tpu.memory_space<hbm>>
      tpu.wait_dma2 semaphore(%run_scoped3A : memref<!tpu.dma_semaphore, #tpu.memory_space<semaphore_mem>>) src(%dma_wait3A_96 : memref<28000xf32, #tpu.memory_space<hbm>>) dst(%arg4 : memref<28000xf32, #tpu.memory_space<vmem>>)
      tpu.yield
    }) : () -> ()
    %get3A_67 = arith.constant 0 : index
    %get3A_68 = tpu.vector_load %arg5[%get3A_67] {strides = array<i32>} : memref<16xf32, #tpu.memory_space<vmem>>, vector<16xf32>,
    %get3A_69 = vector.shape_cast %get3A_68 : vector<16xf32> to vector<16xf32>
    %scan3A_70 = arith.constant 0 : i32
    %scan3A_71 = arith.constant 1750 : i32
    %scan3A_72 = arith.addi %scan3A_70, %scan3A_71 : i32
    %scan3A_73 = arith.constant 1 : i32
    %scan3A_74 = scf.for %scan3A_95 = %scan3A_70 to %scan3A_72 step %scan3A_73 iter_args(%scan3A_96 = %get3A_69) -> (vector<16xf32>)  : i32 {
      %mul3A_97 = arith.constant 16 : i32
      %mul3A_98 = arith.muli %scan3A_95, %mul3A_97 : i32
      %get3A_99 = arith.index_cast %mul3A_98 : i32 to index
      %get3A_100 = tpu.vector_load %arg4[%get3A_99] {strides = array<i32>} : memref<28000xf32, #tpu.memory_space<vmem>>, vector<16xf32>,
      %get3A_101 = vector.shape_cast %get3A_100 : vector<16xf32> to vector<16xf32>
      %abs3A = math.absf %get3A_101 : vector<16xf32>
      %neg3A = arith.constant 0.000000e+00 : f32
      %neg3A_102 = vector.broadcast %neg3A : f32 to vector<16xf32>
      %neg3A_103 = arith.subf %neg3A_102, %abs3A : vector<16xf32>
      %exp3A = math.exp %neg3A_103 : vector<16xf32>
      %mul3A_104 = arith.constant -0.00607475266 : f32
      %mul3A_105 = vector.broadcast %mul3A_104 : f32 to vector<16xf32>
      %mul3A_106 = arith.mulf %mul3A_105, %exp3A : vector<16xf32>
      %add3A_107 = arith.constant 0.0344179124 : f32
      %add3A_108 = vector.broadcast %add3A_107 : f32 to vector<16xf32>
      %add3A_109 = arith.addf %mul3A_106, %add3A_108 : vector<16xf32>
      %mul3A_110 = arith.mulf %add3A_109, %exp3A : vector<16xf32>
      %add3A_111 = arith.constant -0.0923123061 : f32
      %add3A_112 = vector.broadcast %add3A_111 : f32 to vector<16xf32>
      %add3A_113 = arith.addf %mul3A_110, %add3A_112 : vector<16xf32>
      %mul3A_114 = arith.mulf %add3A_113, %exp3A : vector<16xf32>
      %add3A_115 = arith.constant 0.164781883 : f32
      %add3A_116 = vector.broadcast %add3A_115 : f32 to vector<16xf32>
      %add3A_117 = arith.addf %mul3A_114, %add3A_116 : vector<16xf32>
      %mul3A_118 = arith.mulf %add3A_117, %exp3A : vector<16xf32>
      %add3A_119 = arith.constant -0.239189729 : f32
      %add3A_120 = vector.broadcast %add3A_119 : f32 to vector<16xf32>
      %add3A_121 = arith.addf %mul3A_118, %add3A_120 : vector<16xf32>
      %mul3A_122 = arith.mulf %add3A_121, %exp3A : vector<16xf32>
      %add3A_123 = arith.constant 0.331333667 : f32
      %add3A_124 = vector.broadcast %add3A_123 : f32 to vector<16xf32>
      %add3A_125 = arith.addf %mul3A_122, %add3A_124 : vector<16xf32>
      %mul3A_126 = arith.mulf %add3A_125, %exp3A : vector<16xf32>
      %add3A_127 = arith.constant -0.499801099 : f32
      %add3A_128 = vector.broadcast %add3A_127 : f32 to vector<16xf32>
      %add3A_129 = arith.addf %mul3A_126, %add3A_128 : vector<16xf32>
      %mul3A_130 = arith.mulf %add3A_129, %exp3A : vector<16xf32>
      %add3A_131 = arith.constant 0.999991476 : f32
      %add3A_132 = vector.broadcast %add3A_131 : f32 to vector<16xf32>
      %add3A_133 = arith.addf %mul3A_130, %add3A_132 : vector<16xf32>
      %mul3A_134 = arith.mulf %add3A_133, %exp3A : vector<16xf32>
      %add3A_135 = arith.constant 9.09903334E-8 : f32
      %add3A_136 = vector.broadcast %add3A_135 : f32 to vector<16xf32>
      %add3A_137 = arith.addf %mul3A_134, %add3A_136 : vector<16xf32>
      %max3A = arith.constant 0.000000e+00 : f32
      %max3A_138 = vector.broadcast %max3A : f32 to vector<16xf32>
      %max3A_139 = arith.maximumf %get3A_101, %max3A_138 : vector<16xf32>
      %add3A_140 = arith.addf %max3A_139, %add3A_137 : vector<16xf32>
      %add3A_141 = arith.addf %scan3A_96, %add3A_140 : vector<16xf32>
      scf.yield %add3A_141 : vector<16xf32>
    }
    %scan3A_75 = arith.constant 1750 : i32
    %swap3A_76 = arith.constant 0 : index
    %swap3A_77 = tpu.vector_load %arg5[%swap3A_76] {strides = array<i32>} : memref<16xf32, #tpu.memory_space<vmem>>, vector<16xf32>,
    %swap3A_78 = vector.shape_cast %swap3A_77 : vector<16xf32> to vector<16xf32>
    %swap3A_79 = vector.shape_cast %scan3A_74 : vector<16xf32> to vector<16xf32>
    tpu.vector_store %arg5[%swap3A_76], %swap3A_79 {strides = array<i32>} : memref<16xf32, #tpu.memory_space<vmem>>, vector<16xf32>,
    %add3A_80 = arith.constant 140000 : i32
    %add3A_81 = arith.addi %mul3A_2, %add3A_80 : i32
    "tpu.region"() ({
      %run_scoped3A = tpu.sem_alloc : memref<!tpu.dma_semaphore, #tpu.memory_space<semaphore_mem>>
      %dma_start3A = tpu.memref_slice %arg2[%add3A_81] : memref<5376000xf32, #tpu.memory_space<hbm>> -> memref<28000xf32, #tpu.memory_space<hbm>>
      %dma_start3A_95 = tpu.memref_slice %arg2[%add3A_81] : memref<5376000xf32, #tpu.memory_space<hbm>> -> memref<28000xf32, #tpu.memory_space<hbm>>
      tpu.enqueue_dma source(%dma_start3A_95 : memref<28000xf32, #tpu.memory_space<hbm>>) target(%arg4 : memref<28000xf32, #tpu.memory_space<vmem>>) target_semaphore(%run_scoped3A : memref<!tpu.dma_semaphore, #tpu.memory_space<semaphore_mem>>)
      %dma_wait3A = tpu.memref_slice %arg2[%add3A_81] : memref<5376000xf32, #tpu.memory_space<hbm>> -> memref<28000xf32, #tpu.memory_space<hbm>>
      %dma_wait3A_96 = tpu.memref_slice %arg2[%add3A_81] : memref<5376000xf32, #tpu.memory_space<hbm>> -> memref<28000xf32, #tpu.memory_space<hbm>>
      tpu.wait_dma2 semaphore(%run_scoped3A : memref<!tpu.dma_semaphore, #tpu.memory_space<semaphore_mem>>) src(%dma_wait3A_96 : memref<28000xf32, #tpu.memory_space<hbm>>) dst(%arg4 : memref<28000xf32, #tpu.memory_space<vmem>>)
      tpu.yield
    }) : () -> ()
    %get3A_82 = arith.constant 0 : index
    %get3A_83 = tpu.vector_load %arg5[%get3A_82] {strides = array<i32>} : memref<16xf32, #tpu.memory_space<vmem>>, vector<16xf32>,
    %get3A_84 = vector.shape_cast %get3A_83 : vector<16xf32> to vector<16xf32>
    %scan3A_85 = arith.constant 0 : i32
    %scan3A_86 = arith.constant 1750 : i32
    %scan3A_87 = arith.addi %scan3A_85, %scan3A_86 : i32
    %scan3A_88 = arith.constant 1 : i32
    %scan3A_89 = scf.for %scan3A_95 = %scan3A_85 to %scan3A_87 step %scan3A_88 iter_args(%scan3A_96 = %get3A_84) -> (vector<16xf32>)  : i32 {
      %mul3A_97 = arith.constant 16 : i32
      %mul3A_98 = arith.muli %scan3A_95, %mul3A_97 : i32
      %get3A_99 = arith.index_cast %mul3A_98 : i32 to index
      %get3A_100 = tpu.vector_load %arg4[%get3A_99] {strides = array<i32>} : memref<28000xf32, #tpu.memory_space<vmem>>, vector<16xf32>,
      %get3A_101 = vector.shape_cast %get3A_100 : vector<16xf32> to vector<16xf32>
      %abs3A = math.absf %get3A_101 : vector<16xf32>
      %neg3A = arith.constant 0.000000e+00 : f32
      %neg3A_102 = vector.broadcast %neg3A : f32 to vector<16xf32>
      %neg3A_103 = arith.subf %neg3A_102, %abs3A : vector<16xf32>
      %exp3A = math.exp %neg3A_103 : vector<16xf32>
      %mul3A_104 = arith.constant -0.00607475266 : f32
      %mul3A_105 = vector.broadcast %mul3A_104 : f32 to vector<16xf32>
      %mul3A_106 = arith.mulf %mul3A_105, %exp3A : vector<16xf32>
      %add3A_107 = arith.constant 0.0344179124 : f32
      %add3A_108 = vector.broadcast %add3A_107 : f32 to vector<16xf32>
      %add3A_109 = arith.addf %mul3A_106, %add3A_108 : vector<16xf32>
      %mul3A_110 = arith.mulf %add3A_109, %exp3A : vector<16xf32>
      %add3A_111 = arith.constant -0.0923123061 : f32
      %add3A_112 = vector.broadcast %add3A_111 : f32 to vector<16xf32>
      %add3A_113 = arith.addf %mul3A_110, %add3A_112 : vector<16xf32>
      %mul3A_114 = arith.mulf %add3A_113, %exp3A : vector<16xf32>
      %add3A_115 = arith.constant 0.164781883 : f32
      %add3A_116 = vector.broadcast %add3A_115 : f32 to vector<16xf32>
      %add3A_117 = arith.addf %mul3A_114, %add3A_116 : vector<16xf32>
      %mul3A_118 = arith.mulf %add3A_117, %exp3A : vector<16xf32>
      %add3A_119 = arith.constant -0.239189729 : f32
      %add3A_120 = vector.broadcast %add3A_119 : f32 to vector<16xf32>
      %add3A_121 = arith.addf %mul3A_118, %add3A_120 : vector<16xf32>
      %mul3A_122 = arith.mulf %add3A_121, %exp3A : vector<16xf32>
      %add3A_123 = arith.constant 0.331333667 : f32
      %add3A_124 = vector.broadcast %add3A_123 : f32 to vector<16xf32>
      %add3A_125 = arith.addf %mul3A_122, %add3A_124 : vector<16xf32>
      %mul3A_126 = arith.mulf %add3A_125, %exp3A : vector<16xf32>
      %add3A_127 = arith.constant -0.499801099 : f32
      %add3A_128 = vector.broadcast %add3A_127 : f32 to vector<16xf32>
      %add3A_129 = arith.addf %mul3A_126, %add3A_128 : vector<16xf32>
      %mul3A_130 = arith.mulf %add3A_129, %exp3A : vector<16xf32>
      %add3A_131 = arith.constant 0.999991476 : f32
      %add3A_132 = vector.broadcast %add3A_131 : f32 to vector<16xf32>
      %add3A_133 = arith.addf %mul3A_130, %add3A_132 : vector<16xf32>
      %mul3A_134 = arith.mulf %add3A_133, %exp3A : vector<16xf32>
      %add3A_135 = arith.constant 9.09903334E-8 : f32
      %add3A_136 = vector.broadcast %add3A_135 : f32 to vector<16xf32>
      %add3A_137 = arith.addf %mul3A_134, %add3A_136 : vector<16xf32>
      %max3A = arith.constant 0.000000e+00 : f32
      %max3A_138 = vector.broadcast %max3A : f32 to vector<16xf32>
      %max3A_139 = arith.maximumf %get3A_101, %max3A_138 : vector<16xf32>
      %add3A_140 = arith.addf %max3A_139, %add3A_137 : vector<16xf32>
      %add3A_141 = arith.addf %scan3A_96, %add3A_140 : vector<16xf32>
      scf.yield %add3A_141 : vector<16xf32>
    }
    %scan3A_90 = arith.constant 1750 : i32
    %swap3A_91 = arith.constant 0 : index
    %swap3A_92 = tpu.vector_load %arg5[%swap3A_91] {strides = array<i32>} : memref<16xf32, #tpu.memory_space<vmem>>, vector<16xf32>,
    %swap3A_93 = vector.shape_cast %swap3A_92 : vector<16xf32> to vector<16xf32>
    %swap3A_94 = vector.shape_cast %scan3A_89 : vector<16xf32> to vector<16xf32>
    tpu.vector_store %arg5[%swap3A_91], %swap3A_94 {strides = array<i32>} : memref<16xf32, #tpu.memory_space<vmem>>, vector<16xf32>,
    "tpu.region"() ({
      %run_scoped3A = tpu.sem_alloc : memref<!tpu.dma_semaphore, #tpu.memory_space<semaphore_mem>>
      %dma_start3A = arith.constant 0 : i32
      %dma_start3A_95 = tpu.memref_slice %arg3[%add3A, %dma_start3A] : memref<32x16xf32, #tpu.memory_space<hbm>> -> memref<1x16xf32, #tpu.memory_space<hbm>>
      %dma_start3A_96 = tpu.memref_squeeze %dma_start3A_95 : memref<1x16xf32, #tpu.memory_space<hbm>> -> memref<16xf32, #tpu.memory_space<hbm>>
      %dma_start3A_97 = arith.constant 0 : i32
      %dma_start3A_98 = tpu.memref_slice %arg3[%add3A, %dma_start3A_97] : memref<32x16xf32, #tpu.memory_space<hbm>> -> memref<1x16xf32, #tpu.memory_space<hbm>>
      %dma_start3A_99 = tpu.memref_squeeze %dma_start3A_98 : memref<1x16xf32, #tpu.memory_space<hbm>> -> memref<16xf32, #tpu.memory_space<hbm>>
      tpu.enqueue_dma source(%arg5 : memref<16xf32, #tpu.memory_space<vmem>>) target(%dma_start3A_99 : memref<16xf32, #tpu.memory_space<hbm>>) target_semaphore(%run_scoped3A : memref<!tpu.dma_semaphore, #tpu.memory_space<semaphore_mem>>)
      %dma_wait3A = arith.constant 0 : i32
      %dma_wait3A_100 = tpu.memref_slice %arg3[%add3A, %dma_wait3A] : memref<32x16xf32, #tpu.memory_space<hbm>> -> memref<1x16xf32, #tpu.memory_space<hbm>>
      %dma_wait3A_101 = tpu.memref_squeeze %dma_wait3A_100 : memref<1x16xf32, #tpu.memory_space<hbm>> -> memref<16xf32, #tpu.memory_space<hbm>>
      %dma_wait3A_102 = arith.constant 0 : i32
      %dma_wait3A_103 = tpu.memref_slice %arg3[%add3A, %dma_wait3A_102] : memref<32x16xf32, #tpu.memory_space<hbm>> -> memref<1x16xf32, #tpu.memory_space<hbm>>
      %dma_wait3A_104 = tpu.memref_squeeze %dma_wait3A_103 : memref<1x16xf32, #tpu.memory_space<hbm>> -> memref<16xf32, #tpu.memory_space<hbm>>
      tpu.wait_dma2 semaphore(%run_scoped3A : memref<!tpu.dma_semaphore, #tpu.memory_space<semaphore_mem>>) src(%arg5 : memref<16xf32, #tpu.memory_space<vmem>>) dst(%dma_wait3A_104 : memref<16xf32, #tpu.memory_space<hbm>>)
      tpu.yield
    }) : () -> ()
    return
  }
}

module attributes {stable_mosaic.version = 14 : i64} {
  func.func @_yolo_kernel(%arg0: i32, %arg1: memref<1x8400x80xf32, #tpu.memory_space<vmem>>, %arg2: memref<1x4x8400xf32, #tpu.memory_space<vmem>>, %arg3: memref<1x100x4xf32, #tpu.memory_space<vmem>>, %arg4: memref<1x1x100xi32, #tpu.memory_space<vmem>>, %arg5: memref<2x8400xf32, #tpu.memory_space<vmem>>, %arg6: memref<1x8x128xf32, #tpu.memory_space<vmem>>) attributes {dimension_semantics = [#tpu.dimension_semantics<parallel>], iteration_bounds = array<i64: 8>, scalar_prefetch = 0 : i64, scratch_operands = 0 : i64, tpu.core_type = #tpu.core_type<tc>, window_params = [{transform_indices = @transform_0, window_bounds = array<i64: 1, 8400, 80>}, {transform_indices = @transform_1, window_bounds = array<i64: 1, 4, 8400>}, {transform_indices = @transform_2, window_bounds = array<i64: 1, 100, 4>}, {transform_indices = @transform_3, window_bounds = array<i64: 1, 1, 100>}, {pipeline_mode = #tpu.pipeline_mode<synchronous>, transform_indices = @transform_4, window_bounds = array<i64: 2, 8400>}, {transform_indices = @transform_5, window_bounds = array<i64: 1, 8, 128>}]} {
    %get3A = arith.constant 0 : index
    %get3A_0 = arith.constant 0 : index
    %get3A_1 = arith.constant 0 : index
    %get3A_2 = vector.load %arg1[%get3A, %get3A_0, %get3A_1] : memref<1x8400x80xf32, #tpu.memory_space<vmem>>, vector<1x8400x80xf32>
    %get3A_3 = vector.shape_cast %get3A_2 : vector<1x8400x80xf32> to vector<8400x80xf32>
    %get3A_4 = arith.constant 0 : index
    %get3A_5 = arith.constant 0 : index
    %get3A_6 = arith.constant 0 : index
    %get3A_7 = vector.load %arg2[%get3A_4, %get3A_5, %get3A_6] : memref<1x4x8400xf32, #tpu.memory_space<vmem>>, vector<1x4x8400xf32>
    %get3A_8 = vector.shape_cast %get3A_7 : vector<1x4x8400xf32> to vector<4x8400xf32>
    %get3A_9 = arith.constant 0 : index
    %get3A_10 = arith.constant 0 : index
    %get3A_11 = arith.constant 0 : index
    %get3A_12 = vector.load %arg3[%get3A_9, %get3A_10, %get3A_11] : memref<1x100x4xf32, #tpu.memory_space<vmem>>, vector<1x100x4xf32>
    %get3A_13 = vector.shape_cast %get3A_12 : vector<1x100x4xf32> to vector<100x4xf32>
    %get3A_14 = arith.constant 0 : index
    %get3A_15 = arith.constant 0 : index
    %get3A_16 = arith.constant 0 : index
    %get3A_17 = vector.load %arg4[%get3A_14, %get3A_15, %get3A_16] : memref<1x1x100xi32, #tpu.memory_space<vmem>>, vector<1x1x100xi32>
    %get3A_18 = vector.shape_cast %get3A_17 : vector<1x1x100xi32> to vector<1x100xi32>
    %get3A_19 = arith.constant 0 : index
    %get3A_20 = arith.constant 0 : index
    %get3A_21 = vector.load %arg5[%get3A_19, %get3A_20] : memref<2x8400xf32, #tpu.memory_space<vmem>>, vector<2x8400xf32>
    %slice3A = vector.extract_strided_slice %get3A_21 {offsets = [0, 0], sizes = [1, 8400], strides = [1, 1]} : vector<2x8400xf32> to vector<1x8400xf32>
    %slice3A_22 = vector.extract_strided_slice %get3A_21 {offsets = [1, 0], sizes = [1, 8400], strides = [1, 1]} : vector<2x8400xf32> to vector<1x8400xf32>
    %slice3A_23 = vector.extract_strided_slice %get3A_13 {offsets = [0, 0], sizes = [100, 1], strides = [1, 1]} : vector<100x4xf32> to vector<100x1xf32>
    %slice3A_24 = vector.extract_strided_slice %get3A_13 {offsets = [0, 1], sizes = [100, 1], strides = [1, 1]} : vector<100x4xf32> to vector<100x1xf32>
    %slice3A_25 = vector.extract_strided_slice %get3A_13 {offsets = [0, 2], sizes = [100, 1], strides = [1, 1]} : vector<100x4xf32> to vector<100x1xf32>
    %slice3A_26 = vector.extract_strided_slice %get3A_13 {offsets = [0, 3], sizes = [100, 1], strides = [1, 1]} : vector<100x4xf32> to vector<100x1xf32>
    %slice3A_27 = vector.extract_strided_slice %get3A_8 {offsets = [0, 0], sizes = [1, 8400], strides = [1, 1]} : vector<4x8400xf32> to vector<1x8400xf32>
    %slice3A_28 = vector.extract_strided_slice %get3A_8 {offsets = [1, 0], sizes = [1, 8400], strides = [1, 1]} : vector<4x8400xf32> to vector<1x8400xf32>
    %slice3A_29 = vector.extract_strided_slice %get3A_8 {offsets = [2, 0], sizes = [1, 8400], strides = [1, 1]} : vector<4x8400xf32> to vector<1x8400xf32>
    %slice3A_30 = vector.extract_strided_slice %get3A_8 {offsets = [3, 0], sizes = [1, 8400], strides = [1, 1]} : vector<4x8400xf32> to vector<1x8400xf32>
    %lt3A = vector.broadcast %slice3A_23 : vector<100x1xf32> to vector<100x8400xf32>
    %lt3A_31 = vector.broadcast %slice3A : vector<1x8400xf32> to vector<100x8400xf32>
    %lt3A_32 = arith.cmpf olt, %lt3A, %lt3A_31 : vector<100x8400xf32>
    %lt3A_33 = vector.broadcast %slice3A : vector<1x8400xf32> to vector<100x8400xf32>
    %lt3A_34 = vector.broadcast %slice3A_25 : vector<100x1xf32> to vector<100x8400xf32>
    %lt3A_35 = arith.cmpf olt, %lt3A_33, %lt3A_34 : vector<100x8400xf32>
    %and3A = arith.andi %lt3A_32, %lt3A_35 : vector<100x8400xi1>
    %lt3A_36 = vector.broadcast %slice3A_24 : vector<100x1xf32> to vector<100x8400xf32>
    %lt3A_37 = vector.broadcast %slice3A_22 : vector<1x8400xf32> to vector<100x8400xf32>
    %lt3A_38 = arith.cmpf olt, %lt3A_36, %lt3A_37 : vector<100x8400xf32>
    %and3A_39 = arith.andi %and3A, %lt3A_38 : vector<100x8400xi1>
    %lt3A_40 = vector.broadcast %slice3A_22 : vector<1x8400xf32> to vector<100x8400xf32>
    %lt3A_41 = vector.broadcast %slice3A_26 : vector<100x1xf32> to vector<100x8400xf32>
    %lt3A_42 = arith.cmpf olt, %lt3A_40, %lt3A_41 : vector<100x8400xf32>
    %and3A_43 = arith.andi %and3A_39, %lt3A_42 : vector<100x8400xi1>
    %max3A = vector.broadcast %slice3A_23 : vector<100x1xf32> to vector<100x8400xf32>
    %max3A_44 = vector.broadcast %slice3A_27 : vector<1x8400xf32> to vector<100x8400xf32>
    %max3A_45 = arith.maximumf %max3A, %max3A_44 : vector<100x8400xf32>
    %max3A_46 = vector.broadcast %slice3A_24 : vector<100x1xf32> to vector<100x8400xf32>
    %max3A_47 = vector.broadcast %slice3A_28 : vector<1x8400xf32> to vector<100x8400xf32>
    %max3A_48 = arith.maximumf %max3A_46, %max3A_47 : vector<100x8400xf32>
    %min3A = vector.broadcast %slice3A_25 : vector<100x1xf32> to vector<100x8400xf32>
    %min3A_49 = vector.broadcast %slice3A_29 : vector<1x8400xf32> to vector<100x8400xf32>
    %min3A_50 = arith.minimumf %min3A, %min3A_49 : vector<100x8400xf32>
    %min3A_51 = vector.broadcast %slice3A_26 : vector<100x1xf32> to vector<100x8400xf32>
    %min3A_52 = vector.broadcast %slice3A_30 : vector<1x8400xf32> to vector<100x8400xf32>
    %min3A_53 = arith.minimumf %min3A_51, %min3A_52 : vector<100x8400xf32>
    %sub3A = arith.subf %min3A_50, %max3A_45 : vector<100x8400xf32>
    %max3A_54 = arith.constant 0.000000e+00 : f32
    %max3A_55 = vector.broadcast %max3A_54 : f32 to vector<100x8400xf32>
    %max3A_56 = arith.maximumf %sub3A, %max3A_55 : vector<100x8400xf32>
    %sub3A_57 = arith.subf %min3A_53, %max3A_48 : vector<100x8400xf32>
    %max3A_58 = arith.constant 0.000000e+00 : f32
    %max3A_59 = vector.broadcast %max3A_58 : f32 to vector<100x8400xf32>
    %max3A_60 = arith.maximumf %sub3A_57, %max3A_59 : vector<100x8400xf32>
    %mul3A = arith.mulf %max3A_56, %max3A_60 : vector<100x8400xf32>
    %sub3A_61 = arith.subf %slice3A_25, %slice3A_23 : vector<100x1xf32>
    %sub3A_62 = arith.subf %slice3A_26, %slice3A_24 : vector<100x1xf32>
    %mul3A_63 = arith.mulf %sub3A_61, %sub3A_62 : vector<100x1xf32>
    %sub3A_64 = arith.subf %slice3A_29, %slice3A_27 : vector<1x8400xf32>
    %sub3A_65 = arith.subf %slice3A_30, %slice3A_28 : vector<1x8400xf32>
    %mul3A_66 = arith.mulf %sub3A_64, %sub3A_65 : vector<1x8400xf32>
    %add3A = vector.broadcast %mul3A_63 : vector<100x1xf32> to vector<100x8400xf32>
    %add3A_67 = vector.broadcast %mul3A_66 : vector<1x8400xf32> to vector<100x8400xf32>
    %add3A_68 = arith.addf %add3A, %add3A_67 : vector<100x8400xf32>
    %sub3A_69 = arith.subf %add3A_68, %mul3A : vector<100x8400xf32>
    %add3A_70 = arith.constant 9.99999971E-10 : f32
    %add3A_71 = vector.broadcast %add3A_70 : f32 to vector<100x8400xf32>
    %add3A_72 = arith.addf %sub3A_69, %add3A_71 : vector<100x8400xf32>
    %div3A = arith.divf %mul3A, %add3A_72 : vector<100x8400xf32>
    %add3A_73 = arith.addf %slice3A_23, %slice3A_25 : vector<100x1xf32>
    %mul3A_74 = arith.constant 5.000000e-01 : f32
    %mul3A_75 = vector.broadcast %mul3A_74 : f32 to vector<100x1xf32>
    %mul3A_76 = arith.mulf %add3A_73, %mul3A_75 : vector<100x1xf32>
    %add3A_77 = arith.addf %slice3A_24, %slice3A_26 : vector<100x1xf32>
    %mul3A_78 = arith.constant 5.000000e-01 : f32
    %mul3A_79 = vector.broadcast %mul3A_78 : f32 to vector<100x1xf32>
    %mul3A_80 = arith.mulf %add3A_77, %mul3A_79 : vector<100x1xf32>
    %add3A_81 = arith.addf %slice3A_27, %slice3A_29 : vector<1x8400xf32>
    %mul3A_82 = arith.constant 5.000000e-01 : f32
    %mul3A_83 = vector.broadcast %mul3A_82 : f32 to vector<1x8400xf32>
    %mul3A_84 = arith.mulf %add3A_81, %mul3A_83 : vector<1x8400xf32>
    %add3A_85 = arith.addf %slice3A_28, %slice3A_30 : vector<1x8400xf32>
    %mul3A_86 = arith.constant 5.000000e-01 : f32
    %mul3A_87 = vector.broadcast %mul3A_86 : f32 to vector<1x8400xf32>
    %mul3A_88 = arith.mulf %add3A_85, %mul3A_87 : vector<1x8400xf32>
    %concatenate3A = tpu.concatenate %mul3A_76, %mul3A_80 in 1 : vector<100x1xf32>, vector<100x1xf32> -> vector<100x2xf32>
    %concatenate3A_89 = tpu.concatenate %mul3A_84, %mul3A_88 in 0 : vector<1x8400xf32>, vector<1x8400xf32> -> vector<2x8400xf32>
    %dot_general3A = arith.constant dense<0.000000e+00> : vector<100x8400xf32>
    %dot_general3A_90 = tpu.matmul %concatenate3A, %concatenate3A_89, %dot_general3A {dimension_numbers = #tpu.dot_dimension_numbers<[1], [0], [0], [1], [0, 0, 1, 1], [], []>, transpose_lhs_hint = false} : vector<100x2xf32>, vector<2x8400xf32>, vector<100x8400xf32> -> vector<100x8400xf32>
    %mul3A_91 = arith.mulf %mul3A_76, %mul3A_76 : vector<100x1xf32>
    %mul3A_92 = arith.mulf %mul3A_80, %mul3A_80 : vector<100x1xf32>
    %add3A_93 = arith.addf %mul3A_91, %mul3A_92 : vector<100x1xf32>
    %mul3A_94 = arith.mulf %mul3A_84, %mul3A_84 : vector<1x8400xf32>
    %mul3A_95 = arith.mulf %mul3A_88, %mul3A_88 : vector<1x8400xf32>
    %add3A_96 = arith.addf %mul3A_94, %mul3A_95 : vector<1x8400xf32>
    %add3A_97 = vector.broadcast %add3A_93 : vector<100x1xf32> to vector<100x8400xf32>
    %add3A_98 = vector.broadcast %add3A_96 : vector<1x8400xf32> to vector<100x8400xf32>
    %add3A_99 = arith.addf %add3A_97, %add3A_98 : vector<100x8400xf32>
    %mul3A_100 = arith.constant 2.000000e+00 : f32
    %mul3A_101 = vector.broadcast %mul3A_100 : f32 to vector<100x8400xf32>
    %mul3A_102 = arith.mulf %mul3A_101, %dot_general3A_90 : vector<100x8400xf32>
    %sub3A_103 = arith.subf %add3A_99, %mul3A_102 : vector<100x8400xf32>
    %max3A_104 = vector.broadcast %slice3A_25 : vector<100x1xf32> to vector<100x8400xf32>
    %max3A_105 = vector.broadcast %slice3A_29 : vector<1x8400xf32> to vector<100x8400xf32>
    %max3A_106 = arith.maximumf %max3A_104, %max3A_105 : vector<100x8400xf32>
    %min3A_107 = vector.broadcast %slice3A_23 : vector<100x1xf32> to vector<100x8400xf32>
    %min3A_108 = vector.broadcast %slice3A_27 : vector<1x8400xf32> to vector<100x8400xf32>
    %min3A_109 = arith.minimumf %min3A_107, %min3A_108 : vector<100x8400xf32>
    %sub3A_110 = arith.subf %max3A_106, %min3A_109 : vector<100x8400xf32>
    %max3A_111 = vector.broadcast %slice3A_26 : vector<100x1xf32> to vector<100x8400xf32>
    %max3A_112 = vector.broadcast %slice3A_30 : vector<1x8400xf32> to vector<100x8400xf32>
    %max3A_113 = arith.maximumf %max3A_111, %max3A_112 : vector<100x8400xf32>
    %min3A_114 = vector.broadcast %slice3A_24 : vector<100x1xf32> to vector<100x8400xf32>
    %min3A_115 = vector.broadcast %slice3A_28 : vector<1x8400xf32> to vector<100x8400xf32>
    %min3A_116 = arith.minimumf %min3A_114, %min3A_115 : vector<100x8400xf32>
    %sub3A_117 = arith.subf %max3A_113, %min3A_116 : vector<100x8400xf32>
    %mul3A_118 = arith.mulf %sub3A_110, %sub3A_110 : vector<100x8400xf32>
    %mul3A_119 = arith.mulf %sub3A_117, %sub3A_117 : vector<100x8400xf32>
    %add3A_120 = arith.addf %mul3A_118, %mul3A_119 : vector<100x8400xf32>
    %add3A_121 = arith.constant 9.99999971E-10 : f32
    %add3A_122 = vector.broadcast %add3A_121 : f32 to vector<100x8400xf32>
    %add3A_123 = arith.addf %add3A_120, %add3A_122 : vector<100x8400xf32>
    %div3A_124 = arith.divf %sub3A_103, %add3A_123 : vector<100x8400xf32>
    %sub3A_125 = arith.subf %div3A, %div3A_124 : vector<100x8400xf32>
    %sub3A_126 = arith.subf %slice3A_25, %slice3A_23 : vector<100x1xf32>
    %sub3A_127 = arith.subf %slice3A_26, %slice3A_24 : vector<100x1xf32>
    %add3A_128 = arith.constant 9.99999971E-10 : f32
    %add3A_129 = vector.broadcast %add3A_128 : f32 to vector<100x1xf32>
    %add3A_130 = arith.addf %sub3A_127, %add3A_129 : vector<100x1xf32>
    %div3A_131 = arith.divf %sub3A_126, %add3A_130 : vector<100x1xf32>
    %le3A = arith.constant 1.000000e+00 : f32
    %le3A_132 = vector.broadcast %le3A : f32 to vector<100x1xf32>
    %le3A_133 = arith.cmpf ole, %div3A_131, %le3A_132 : vector<100x1xf32>
    %div3A_134 = arith.constant 1.000000e+00 : f32
    %div3A_135 = vector.broadcast %div3A_134 : f32 to vector<100x1xf32>
    %div3A_136 = arith.divf %div3A_135, %div3A_131 : vector<100x1xf32>
    %select_n3A = arith.select %le3A_133, %div3A_131, %div3A_136 : vector<100x1xi1>, vector<100x1xf32>
    %mul3A_137 = arith.mulf %select_n3A, %select_n3A : vector<100x1xf32>
    %mul3A_138 = arith.constant -0.00405405788 : f32
    %mul3A_139 = vector.broadcast %mul3A_138 : f32 to vector<100x1xf32>
    %mul3A_140 = arith.mulf %mul3A_139, %mul3A_137 : vector<100x1xf32>
    %add3A_141 = arith.constant 0.0218612291 : f32
    %add3A_142 = vector.broadcast %add3A_141 : f32 to vector<100x1xf32>
    %add3A_143 = arith.addf %mul3A_140, %add3A_142 : vector<100x1xf32>
    %mul3A_144 = arith.mulf %add3A_143, %mul3A_137 : vector<100x1xf32>
    %add3A_145 = arith.constant -0.055909887 : f32
    %add3A_146 = vector.broadcast %add3A_145 : f32 to vector<100x1xf32>
    %add3A_147 = arith.addf %mul3A_144, %add3A_146 : vector<100x1xf32>
    %mul3A_148 = arith.mulf %add3A_147, %mul3A_137 : vector<100x1xf32>
    %add3A_149 = arith.constant 0.0964200422 : f32
    %add3A_150 = vector.broadcast %add3A_149 : f32 to vector<100x1xf32>
    %add3A_151 = arith.addf %mul3A_148, %add3A_150 : vector<100x1xf32>
    %mul3A_152 = arith.mulf %add3A_151, %mul3A_137 : vector<100x1xf32>
    %add3A_153 = arith.constant -0.139085338 : f32
    %add3A_154 = vector.broadcast %add3A_153 : f32 to vector<100x1xf32>
    %add3A_155 = arith.addf %mul3A_152, %add3A_154 : vector<100x1xf32>
    %mul3A_156 = arith.mulf %add3A_155, %mul3A_137 : vector<100x1xf32>
    %add3A_157 = arith.constant 0.199465364 : f32
    %add3A_158 = vector.broadcast %add3A_157 : f32 to vector<100x1xf32>
    %add3A_159 = arith.addf %mul3A_156, %add3A_158 : vector<100x1xf32>
    %mul3A_160 = arith.mulf %add3A_159, %mul3A_137 : vector<100x1xf32>
    %add3A_161 = arith.constant -0.333298564 : f32
    %add3A_162 = vector.broadcast %add3A_161 : f32 to vector<100x1xf32>
    %add3A_163 = arith.addf %mul3A_160, %add3A_162 : vector<100x1xf32>
    %mul3A_164 = arith.mulf %add3A_163, %mul3A_137 : vector<100x1xf32>
    %add3A_165 = arith.constant 0.999999344 : f32
    %add3A_166 = vector.broadcast %add3A_165 : f32 to vector<100x1xf32>
    %add3A_167 = arith.addf %mul3A_164, %add3A_166 : vector<100x1xf32>
    %mul3A_168 = arith.mulf %select_n3A, %add3A_167 : vector<100x1xf32>
    %sub3A_169 = arith.constant 1.57079637 : f32
    %sub3A_170 = vector.broadcast %sub3A_169 : f32 to vector<100x1xf32>
    %sub3A_171 = arith.subf %sub3A_170, %mul3A_168 : vector<100x1xf32>
    %select_n3A_172 = arith.select %le3A_133, %mul3A_168, %sub3A_171 : vector<100x1xi1>, vector<100x1xf32>
    %sub3A_173 = arith.subf %slice3A_29, %slice3A_27 : vector<1x8400xf32>
    %sub3A_174 = arith.subf %slice3A_30, %slice3A_28 : vector<1x8400xf32>
    %add3A_175 = arith.constant 9.99999971E-10 : f32
    %add3A_176 = vector.broadcast %add3A_175 : f32 to vector<1x8400xf32>
    %add3A_177 = arith.addf %sub3A_174, %add3A_176 : vector<1x8400xf32>
    %div3A_178 = arith.divf %sub3A_173, %add3A_177 : vector<1x8400xf32>
    %le3A_179 = arith.constant 1.000000e+00 : f32
    %le3A_180 = vector.broadcast %le3A_179 : f32 to vector<1x8400xf32>
    %le3A_181 = arith.cmpf ole, %div3A_178, %le3A_180 : vector<1x8400xf32>
    %div3A_182 = arith.constant 1.000000e+00 : f32
    %div3A_183 = vector.broadcast %div3A_182 : f32 to vector<1x8400xf32>
    %div3A_184 = arith.divf %div3A_183, %div3A_178 : vector<1x8400xf32>
    %select_n3A_185 = arith.select %le3A_181, %div3A_178, %div3A_184 : vector<1x8400xi1>, vector<1x8400xf32>
    %mul3A_186 = arith.mulf %select_n3A_185, %select_n3A_185 : vector<1x8400xf32>
    %mul3A_187 = arith.constant -0.00405405788 : f32
    %mul3A_188 = vector.broadcast %mul3A_187 : f32 to vector<1x8400xf32>
    %mul3A_189 = arith.mulf %mul3A_188, %mul3A_186 : vector<1x8400xf32>
    %add3A_190 = arith.constant 0.0218612291 : f32
    %add3A_191 = vector.broadcast %add3A_190 : f32 to vector<1x8400xf32>
    %add3A_192 = arith.addf %mul3A_189, %add3A_191 : vector<1x8400xf32>
    %mul3A_193 = arith.mulf %add3A_192, %mul3A_186 : vector<1x8400xf32>
    %add3A_194 = arith.constant -0.055909887 : f32
    %add3A_195 = vector.broadcast %add3A_194 : f32 to vector<1x8400xf32>
    %add3A_196 = arith.addf %mul3A_193, %add3A_195 : vector<1x8400xf32>
    %mul3A_197 = arith.mulf %add3A_196, %mul3A_186 : vector<1x8400xf32>
    %add3A_198 = arith.constant 0.0964200422 : f32
    %add3A_199 = vector.broadcast %add3A_198 : f32 to vector<1x8400xf32>
    %add3A_200 = arith.addf %mul3A_197, %add3A_199 : vector<1x8400xf32>
    %mul3A_201 = arith.mulf %add3A_200, %mul3A_186 : vector<1x8400xf32>
    %add3A_202 = arith.constant -0.139085338 : f32
    %add3A_203 = vector.broadcast %add3A_202 : f32 to vector<1x8400xf32>
    %add3A_204 = arith.addf %mul3A_201, %add3A_203 : vector<1x8400xf32>
    %mul3A_205 = arith.mulf %add3A_204, %mul3A_186 : vector<1x8400xf32>
    %add3A_206 = arith.constant 0.199465364 : f32
    %add3A_207 = vector.broadcast %add3A_206 : f32 to vector<1x8400xf32>
    %add3A_208 = arith.addf %mul3A_205, %add3A_207 : vector<1x8400xf32>
    %mul3A_209 = arith.mulf %add3A_208, %mul3A_186 : vector<1x8400xf32>
    %add3A_210 = arith.constant -0.333298564 : f32
    %add3A_211 = vector.broadcast %add3A_210 : f32 to vector<1x8400xf32>
    %add3A_212 = arith.addf %mul3A_209, %add3A_211 : vector<1x8400xf32>
    %mul3A_213 = arith.mulf %add3A_212, %mul3A_186 : vector<1x8400xf32>
    %add3A_214 = arith.constant 0.999999344 : f32
    %add3A_215 = vector.broadcast %add3A_214 : f32 to vector<1x8400xf32>
    %add3A_216 = arith.addf %mul3A_213, %add3A_215 : vector<1x8400xf32>
    %mul3A_217 = arith.mulf %select_n3A_185, %add3A_216 : vector<1x8400xf32>
    %sub3A_218 = arith.constant 1.57079637 : f32
    %sub3A_219 = vector.broadcast %sub3A_218 : f32 to vector<1x8400xf32>
    %sub3A_220 = arith.subf %sub3A_219, %mul3A_217 : vector<1x8400xf32>
    %select_n3A_221 = arith.select %le3A_181, %mul3A_217, %sub3A_220 : vector<1x8400xi1>, vector<1x8400xf32>
    %sub3A_222 = vector.broadcast %select_n3A_172 : vector<100x1xf32> to vector<100x8400xf32>
    %sub3A_223 = vector.broadcast %select_n3A_221 : vector<1x8400xf32> to vector<100x8400xf32>
    %sub3A_224 = arith.subf %sub3A_222, %sub3A_223 : vector<100x8400xf32>
    %mul3A_225 = arith.constant 0.405284733 : f32
    %mul3A_226 = vector.broadcast %mul3A_225 : f32 to vector<100x8400xf32>
    %mul3A_227 = arith.mulf %mul3A_226, %sub3A_224 : vector<100x8400xf32>
    %mul3A_228 = arith.mulf %mul3A_227, %sub3A_224 : vector<100x8400xf32>
    %sub3A_229 = arith.subf %mul3A_228, %div3A : vector<100x8400xf32>
    %add3A_230 = arith.constant 1.000000e+00 : f32
    %add3A_231 = vector.broadcast %add3A_230 : f32 to vector<100x8400xf32>
    %add3A_232 = arith.addf %sub3A_229, %add3A_231 : vector<100x8400xf32>
    %add3A_233 = arith.constant 9.99999971E-10 : f32
    %add3A_234 = vector.broadcast %add3A_233 : f32 to vector<100x8400xf32>
    %add3A_235 = arith.addf %add3A_232, %add3A_234 : vector<100x8400xf32>
    %div3A_236 = arith.divf %mul3A_228, %add3A_235 : vector<100x8400xf32>
    %mul3A_237 = arith.mulf %div3A_236, %mul3A_228 : vector<100x8400xf32>
    %sub3A_238 = arith.subf %sub3A_125, %mul3A_237 : vector<100x8400xf32>
    %max3A_239 = arith.constant 0.000000e+00 : f32
    %max3A_240 = vector.broadcast %max3A_239 : f32 to vector<100x8400xf32>
    %max3A_241 = arith.maximumf %sub3A_238, %max3A_240 : vector<100x8400xf32>
    %iota3A = tpu.iota {dimensions = array<i32: 0>} : vector<80x100xi32>
    %broadcast_in_dim3A = vector.shape_cast %get3A_18 : vector<1x100xi32> to vector<1x100xi32>
    %broadcast_in_dim3A_242 = vector.broadcast %broadcast_in_dim3A : vector<1x100xi32> to vector<80x100xi32>
    %eq3A = arith.cmpi eq, %broadcast_in_dim3A_242, %iota3A : vector<80x100xi32>
    %convert_element_type3A = arith.extui %eq3A : vector<80x100xi1> to vector<80x100xi32>
    %convert_element_type3A_243 = arith.sitofp %convert_element_type3A : vector<80x100xi32> to vector<80x100xf32>
    %dot_general3A_244 = arith.constant dense<0.000000e+00> : vector<100x8400xf32>
    %dot_general3A_245 = tpu.matmul %convert_element_type3A_243, %get3A_3, %dot_general3A_244 {dimension_numbers = #tpu.dot_dimension_numbers<[0], [1], [1], [0], [0, 1, 1, 0], [], []>, transpose_lhs_hint = false} : vector<80x100xf32>, vector<8400x80xf32>, vector<100x8400xf32> -> vector<100x8400xf32>
    %neg3A = arith.constant 0.000000e+00 : f32
    %neg3A_246 = vector.broadcast %neg3A : f32 to vector<100x8400xf32>
    %neg3A_247 = arith.subf %neg3A_246, %dot_general3A_245 : vector<100x8400xf32>
    %exp3A = math.exp %neg3A_247 : vector<100x8400xf32>
    %add3A_248 = arith.constant 1.000000e+00 : f32
    %add3A_249 = vector.broadcast %add3A_248 : f32 to vector<100x8400xf32>
    %add3A_250 = arith.addf %add3A_249, %exp3A : vector<100x8400xf32>
    %rsqrt3A = math.rsqrt %add3A_250 : vector<100x8400xf32>
    %mul3A_251 = arith.mulf %max3A_241, %max3A_241 : vector<100x8400xf32>
    %mul3A_252 = arith.mulf %mul3A_251, %mul3A_251 : vector<100x8400xf32>
    %mul3A_253 = arith.mulf %mul3A_252, %mul3A_251 : vector<100x8400xf32>
    %mul3A_254 = arith.mulf %mul3A_253, %rsqrt3A : vector<100x8400xf32>
    %jit3A = arith.constant 0.000000e+00 : f32
    %broadcast_in_dim3A_255 = vector.broadcast %jit3A : f32 to vector<100x8400xf32>
    %select_n3A_256 = arith.select %and3A_43, %mul3A_254, %broadcast_in_dim3A_255 : vector<100x8400xi1>, vector<100x8400xf32>
    %reduce_max3A = arith.constant dense<0xFF800000> : vector<100xf32>
    %reduce_max3A_257 = vector.multi_reduction <maximumf>, %select_n3A_256, %reduce_max3A [1] : vector<100x8400xf32> to vector<100xf32>
    %broadcast_in_dim3A_258 = vector.shape_cast %reduce_max3A_257 : vector<100xf32> to vector<100x1xf32>
    %lt3A_259 = vector.broadcast %broadcast_in_dim3A_258 : vector<100x1xf32> to vector<100x8400xf32>
    %lt3A_260 = arith.cmpf olt, %select_n3A_256, %lt3A_259 : vector<100x8400xf32>
    %jit3A_261 = arith.constant -1.000000e+00 : f32
    %broadcast_in_dim3A_262 = vector.broadcast %jit3A_261 : f32 to vector<100x8400xf32>
    %select_n3A_263 = arith.select %lt3A_260, %select_n3A_256, %broadcast_in_dim3A_262 : vector<100x8400xi1>, vector<100x8400xf32>
    %reduce_max3A_264 = arith.constant dense<0xFF800000> : vector<100xf32>
    %reduce_max3A_265 = vector.multi_reduction <maximumf>, %select_n3A_263, %reduce_max3A_264 [1] : vector<100x8400xf32> to vector<100xf32>
    %broadcast_in_dim3A_266 = vector.shape_cast %reduce_max3A_265 : vector<100xf32> to vector<100x1xf32>
    %lt3A_267 = vector.broadcast %broadcast_in_dim3A_266 : vector<100x1xf32> to vector<100x8400xf32>
    %lt3A_268 = arith.cmpf olt, %select_n3A_256, %lt3A_267 : vector<100x8400xf32>
    %jit3A_269 = arith.constant -1.000000e+00 : f32
    %broadcast_in_dim3A_270 = vector.broadcast %jit3A_269 : f32 to vector<100x8400xf32>
    %select_n3A_271 = arith.select %lt3A_268, %select_n3A_256, %broadcast_in_dim3A_270 : vector<100x8400xi1>, vector<100x8400xf32>
    %reduce_max3A_272 = arith.constant dense<0xFF800000> : vector<100xf32>
    %reduce_max3A_273 = vector.multi_reduction <maximumf>, %select_n3A_271, %reduce_max3A_272 [1] : vector<100x8400xf32> to vector<100xf32>
    %broadcast_in_dim3A_274 = vector.shape_cast %reduce_max3A_273 : vector<100xf32> to vector<100x1xf32>
    %lt3A_275 = vector.broadcast %broadcast_in_dim3A_274 : vector<100x1xf32> to vector<100x8400xf32>
    %lt3A_276 = arith.cmpf olt, %select_n3A_256, %lt3A_275 : vector<100x8400xf32>
    %jit3A_277 = arith.constant -1.000000e+00 : f32
    %broadcast_in_dim3A_278 = vector.broadcast %jit3A_277 : f32 to vector<100x8400xf32>
    %select_n3A_279 = arith.select %lt3A_276, %select_n3A_256, %broadcast_in_dim3A_278 : vector<100x8400xi1>, vector<100x8400xf32>
    %reduce_max3A_280 = arith.constant dense<0xFF800000> : vector<100xf32>
    %reduce_max3A_281 = vector.multi_reduction <maximumf>, %select_n3A_279, %reduce_max3A_280 [1] : vector<100x8400xf32> to vector<100xf32>
    %broadcast_in_dim3A_282 = vector.shape_cast %reduce_max3A_281 : vector<100xf32> to vector<100x1xf32>
    %lt3A_283 = vector.broadcast %broadcast_in_dim3A_282 : vector<100x1xf32> to vector<100x8400xf32>
    %lt3A_284 = arith.cmpf olt, %select_n3A_256, %lt3A_283 : vector<100x8400xf32>
    %jit3A_285 = arith.constant -1.000000e+00 : f32
    %broadcast_in_dim3A_286 = vector.broadcast %jit3A_285 : f32 to vector<100x8400xf32>
    %select_n3A_287 = arith.select %lt3A_284, %select_n3A_256, %broadcast_in_dim3A_286 : vector<100x8400xi1>, vector<100x8400xf32>
    %reduce_max3A_288 = arith.constant dense<0xFF800000> : vector<100xf32>
    %reduce_max3A_289 = vector.multi_reduction <maximumf>, %select_n3A_287, %reduce_max3A_288 [1] : vector<100x8400xf32> to vector<100xf32>
    %broadcast_in_dim3A_290 = vector.shape_cast %reduce_max3A_289 : vector<100xf32> to vector<100x1xf32>
    %lt3A_291 = vector.broadcast %broadcast_in_dim3A_290 : vector<100x1xf32> to vector<100x8400xf32>
    %lt3A_292 = arith.cmpf olt, %select_n3A_256, %lt3A_291 : vector<100x8400xf32>
    %jit3A_293 = arith.constant -1.000000e+00 : f32
    %broadcast_in_dim3A_294 = vector.broadcast %jit3A_293 : f32 to vector<100x8400xf32>
    %select_n3A_295 = arith.select %lt3A_292, %select_n3A_256, %broadcast_in_dim3A_294 : vector<100x8400xi1>, vector<100x8400xf32>
    %reduce_max3A_296 = arith.constant dense<0xFF800000> : vector<100xf32>
    %reduce_max3A_297 = vector.multi_reduction <maximumf>, %select_n3A_295, %reduce_max3A_296 [1] : vector<100x8400xf32> to vector<100xf32>
    %broadcast_in_dim3A_298 = vector.shape_cast %reduce_max3A_297 : vector<100xf32> to vector<100x1xf32>
    %lt3A_299 = vector.broadcast %broadcast_in_dim3A_298 : vector<100x1xf32> to vector<100x8400xf32>
    %lt3A_300 = arith.cmpf olt, %select_n3A_256, %lt3A_299 : vector<100x8400xf32>
    %jit3A_301 = arith.constant -1.000000e+00 : f32
    %broadcast_in_dim3A_302 = vector.broadcast %jit3A_301 : f32 to vector<100x8400xf32>
    %select_n3A_303 = arith.select %lt3A_300, %select_n3A_256, %broadcast_in_dim3A_302 : vector<100x8400xi1>, vector<100x8400xf32>
    %reduce_max3A_304 = arith.constant dense<0xFF800000> : vector<100xf32>
    %reduce_max3A_305 = vector.multi_reduction <maximumf>, %select_n3A_303, %reduce_max3A_304 [1] : vector<100x8400xf32> to vector<100xf32>
    %broadcast_in_dim3A_306 = vector.shape_cast %reduce_max3A_305 : vector<100xf32> to vector<100x1xf32>
    %lt3A_307 = vector.broadcast %broadcast_in_dim3A_306 : vector<100x1xf32> to vector<100x8400xf32>
    %lt3A_308 = arith.cmpf olt, %select_n3A_256, %lt3A_307 : vector<100x8400xf32>
    %jit3A_309 = arith.constant -1.000000e+00 : f32
    %broadcast_in_dim3A_310 = vector.broadcast %jit3A_309 : f32 to vector<100x8400xf32>
    %select_n3A_311 = arith.select %lt3A_308, %select_n3A_256, %broadcast_in_dim3A_310 : vector<100x8400xi1>, vector<100x8400xf32>
    %reduce_max3A_312 = arith.constant dense<0xFF800000> : vector<100xf32>
    %reduce_max3A_313 = vector.multi_reduction <maximumf>, %select_n3A_311, %reduce_max3A_312 [1] : vector<100x8400xf32> to vector<100xf32>
    %broadcast_in_dim3A_314 = vector.shape_cast %reduce_max3A_313 : vector<100xf32> to vector<100x1xf32>
    %lt3A_315 = vector.broadcast %broadcast_in_dim3A_314 : vector<100x1xf32> to vector<100x8400xf32>
    %lt3A_316 = arith.cmpf olt, %select_n3A_256, %lt3A_315 : vector<100x8400xf32>
    %jit3A_317 = arith.constant -1.000000e+00 : f32
    %broadcast_in_dim3A_318 = vector.broadcast %jit3A_317 : f32 to vector<100x8400xf32>
    %select_n3A_319 = arith.select %lt3A_316, %select_n3A_256, %broadcast_in_dim3A_318 : vector<100x8400xi1>, vector<100x8400xf32>
    %reduce_max3A_320 = arith.constant dense<0xFF800000> : vector<100xf32>
    %reduce_max3A_321 = vector.multi_reduction <maximumf>, %select_n3A_319, %reduce_max3A_320 [1] : vector<100x8400xf32> to vector<100xf32>
    %broadcast_in_dim3A_322 = vector.shape_cast %reduce_max3A_321 : vector<100xf32> to vector<100x1xf32>
    %lt3A_323 = vector.broadcast %broadcast_in_dim3A_322 : vector<100x1xf32> to vector<100x8400xf32>
    %lt3A_324 = arith.cmpf olt, %select_n3A_256, %lt3A_323 : vector<100x8400xf32>
    %jit3A_325 = arith.constant -1.000000e+00 : f32
    %broadcast_in_dim3A_326 = vector.broadcast %jit3A_325 : f32 to vector<100x8400xf32>
    %select_n3A_327 = arith.select %lt3A_324, %select_n3A_256, %broadcast_in_dim3A_326 : vector<100x8400xi1>, vector<100x8400xf32>
    %reduce_max3A_328 = arith.constant dense<0xFF800000> : vector<100xf32>
    %reduce_max3A_329 = vector.multi_reduction <maximumf>, %select_n3A_327, %reduce_max3A_328 [1] : vector<100x8400xf32> to vector<100xf32>
    %broadcast_in_dim3A_330 = vector.shape_cast %reduce_max3A_329 : vector<100xf32> to vector<100x1xf32>
    %max3A_331 = arith.constant 1.000000e-30 : f32
    %max3A_332 = vector.broadcast %max3A_331 : f32 to vector<100x1xf32>
    %max3A_333 = arith.maximumf %broadcast_in_dim3A_330, %max3A_332 : vector<100x1xf32>
    %ge3A = vector.broadcast %max3A_333 : vector<100x1xf32> to vector<100x8400xf32>
    %ge3A_334 = arith.cmpf oge, %select_n3A_256, %ge3A : vector<100x8400xf32>
    %jit3A_335 = arith.constant 0.000000e+00 : f32
    %broadcast_in_dim3A_336 = vector.broadcast %jit3A_335 : f32 to vector<100x8400xf32>
    %select_n3A_337 = arith.select %ge3A_334, %select_n3A_256, %broadcast_in_dim3A_336 : vector<100x8400xi1>, vector<100x8400xf32>
    %jit3A_338 = arith.constant 0.000000e+00 : f32
    %broadcast_in_dim3A_339 = vector.broadcast %jit3A_338 : f32 to vector<100x8400xf32>
    %select_n3A_340 = arith.select %ge3A_334, %max3A_241, %broadcast_in_dim3A_339 : vector<100x8400xi1>, vector<100x8400xf32>
    %reduce_max3A_341 = arith.constant dense<0xFF800000> : vector<100xf32>
    %reduce_max3A_342 = vector.multi_reduction <maximumf>, %select_n3A_340, %reduce_max3A_341 [1] : vector<100x8400xf32> to vector<100xf32>
    %broadcast_in_dim3A_343 = vector.shape_cast %reduce_max3A_342 : vector<100xf32> to vector<100x1xf32>
    %add3A_344 = arith.constant 9.99999971E-10 : f32
    %add3A_345 = vector.broadcast %add3A_344 : f32 to vector<100x1xf32>
    %add3A_346 = arith.addf %broadcast_in_dim3A_258, %add3A_345 : vector<100x1xf32>
    %div3A_347 = arith.divf %broadcast_in_dim3A_343, %add3A_346 : vector<100x1xf32>
    %reduce_max3A_348 = arith.constant dense<0xFF800000> : vector<8400xf32>
    %reduce_max3A_349 = vector.multi_reduction <maximumf>, %select_n3A_337, %reduce_max3A_348 [0] : vector<100x8400xf32> to vector<8400xf32>
    %broadcast_in_dim3A_350 = vector.shape_cast %reduce_max3A_349 : vector<8400xf32> to vector<1x8400xf32>
    %iota3A_351 = tpu.iota {dimensions = array<i32: 0>} : vector<100x8400xi32>
    %eq3A_352 = vector.broadcast %broadcast_in_dim3A_350 : vector<1x8400xf32> to vector<100x8400xf32>
    %eq3A_353 = arith.cmpf oeq, %select_n3A_337, %eq3A_352 : vector<100x8400xf32>
    %jit3A_354 = arith.constant 100 : i32
    %broadcast_in_dim3A_355 = vector.broadcast %jit3A_354 : i32 to vector<100x8400xi32>
    %select_n3A_356 = arith.select %eq3A_353, %iota3A_351, %broadcast_in_dim3A_355 : vector<100x8400xi1>, vector<100x8400xi32>
    %reduce_min3A = arith.constant dense<2147483647> : vector<8400xi32>
    %reduce_min3A_357 = vector.multi_reduction <minsi>, %select_n3A_356, %reduce_min3A [0] : vector<100x8400xi32> to vector<8400xi32>
    %broadcast_in_dim3A_358 = vector.shape_cast %reduce_min3A_357 : vector<8400xi32> to vector<1x8400xi32>
    %eq3A_359 = vector.broadcast %broadcast_in_dim3A_358 : vector<1x8400xi32> to vector<100x8400xi32>
    %eq3A_360 = arith.cmpi eq, %iota3A_351, %eq3A_359 : vector<100x8400xi32>
    %convert_element_type3A_361 = arith.extui %eq3A_360 : vector<100x8400xi1> to vector<100x8400xi32>
    %convert_element_type3A_362 = arith.sitofp %convert_element_type3A_361 : vector<100x8400xi32> to vector<100x8400xf32>
    %concatenate3A_363 = tpu.concatenate %slice3A_23, %slice3A_24, %slice3A_25, %slice3A_26, %div3A_347 in 1 : vector<100x1xf32>, vector<100x1xf32>, vector<100x1xf32>, vector<100x1xf32>, vector<100x1xf32> -> vector<100x5xf32>
    %dot_general3A_364 = arith.constant dense<0.000000e+00> : vector<5x8400xf32>
    %dot_general3A_365 = tpu.matmul %concatenate3A_363, %convert_element_type3A_362, %dot_general3A_364 {dimension_numbers = #tpu.dot_dimension_numbers<[0], [0], [1], [1], [0, 1, 1, 1], [], []>, transpose_lhs_hint = false} : vector<100x5xf32>, vector<100x8400xf32>, vector<5x8400xf32> -> vector<5x8400xf32>
    %slice3A_366 = vector.extract_strided_slice %dot_general3A_365 {offsets = [4, 0], sizes = [1, 8400], strides = [1, 1]} : vector<5x8400xf32> to vector<1x8400xf32>
    %mul3A_367 = arith.mulf %broadcast_in_dim3A_350, %slice3A_366 : vector<1x8400xf32>
    %mul3A_368 = arith.mulf %dot_general3A_245, %convert_element_type3A_362 : vector<100x8400xf32>
    %reduce_sum3A = arith.constant dense<0.000000e+00> : vector<8400xf32>
    %reduce_sum3A_369 = vector.multi_reduction <add>, %mul3A_368, %reduce_sum3A [0] : vector<100x8400xf32> to vector<8400xf32>
    %broadcast_in_dim3A_370 = vector.shape_cast %reduce_sum3A_369 : vector<8400xf32> to vector<1x8400xf32>
    %mul3A_371 = arith.mulf %broadcast_in_dim3A_370, %mul3A_367 : vector<1x8400xf32>
    %reduce_sum3A_372 = vector.shape_cast %mul3A_371 : vector<1x8400xf32> to vector<1x1x8400xf32>
    %reduce_sum3A_373 = arith.constant dense<0.000000e+00> : vector<1xf32>
    %reduce_sum3A_374 = vector.multi_reduction <add>, %reduce_sum3A_372, %reduce_sum3A_373 [1, 2] : vector<1x1x8400xf32> to vector<1xf32>
    %reduce_sum3A_375 = vector.shape_cast %reduce_sum3A_374 : vector<1xf32> to vector<1x1x1xf32>
    %reduce_sum3A_376 = vector.extract %reduce_sum3A_375[0, 0, 0] : f32 from vector<1x1x1xf32>
    %reduce_sum3A_377 = vector.shape_cast %mul3A_367 : vector<1x8400xf32> to vector<1x1x8400xf32>
    %reduce_sum3A_378 = arith.constant dense<0.000000e+00> : vector<1xf32>
    %reduce_sum3A_379 = vector.multi_reduction <add>, %reduce_sum3A_377, %reduce_sum3A_378 [1, 2] : vector<1x1x8400xf32> to vector<1xf32>
    %reduce_sum3A_380 = vector.shape_cast %reduce_sum3A_379 : vector<1xf32> to vector<1x1x1xf32>
    %reduce_sum3A_381 = vector.extract %reduce_sum3A_380[0, 0, 0] : f32 from vector<1x1x1xf32>
    %slice3A_382 = vector.extract_strided_slice %dot_general3A_365 {offsets = [0, 0], sizes = [1, 8400], strides = [1, 1]} : vector<5x8400xf32> to vector<1x8400xf32>
    %slice3A_383 = vector.extract_strided_slice %dot_general3A_365 {offsets = [1, 0], sizes = [1, 8400], strides = [1, 1]} : vector<5x8400xf32> to vector<1x8400xf32>
    %slice3A_384 = vector.extract_strided_slice %dot_general3A_365 {offsets = [2, 0], sizes = [1, 8400], strides = [1, 1]} : vector<5x8400xf32> to vector<1x8400xf32>
    %slice3A_385 = vector.extract_strided_slice %dot_general3A_365 {offsets = [3, 0], sizes = [1, 8400], strides = [1, 1]} : vector<5x8400xf32> to vector<1x8400xf32>
    %max3A_386 = arith.maximumf %slice3A_27, %slice3A_382 : vector<1x8400xf32>
    %max3A_387 = arith.maximumf %slice3A_28, %slice3A_383 : vector<1x8400xf32>
    %min3A_388 = arith.minimumf %slice3A_29, %slice3A_384 : vector<1x8400xf32>
    %min3A_389 = arith.minimumf %slice3A_30, %slice3A_385 : vector<1x8400xf32>
    %sub3A_390 = arith.subf %min3A_388, %max3A_386 : vector<1x8400xf32>
    %max3A_391 = arith.constant 0.000000e+00 : f32
    %max3A_392 = vector.broadcast %max3A_391 : f32 to vector<1x8400xf32>
    %max3A_393 = arith.maximumf %sub3A_390, %max3A_392 : vector<1x8400xf32>
    %sub3A_394 = arith.subf %min3A_389, %max3A_387 : vector<1x8400xf32>
    %max3A_395 = arith.constant 0.000000e+00 : f32
    %max3A_396 = vector.broadcast %max3A_395 : f32 to vector<1x8400xf32>
    %max3A_397 = arith.maximumf %sub3A_394, %max3A_396 : vector<1x8400xf32>
    %mul3A_398 = arith.mulf %max3A_393, %max3A_397 : vector<1x8400xf32>
    %sub3A_399 = arith.subf %slice3A_29, %slice3A_27 : vector<1x8400xf32>
    %sub3A_400 = arith.subf %slice3A_30, %slice3A_28 : vector<1x8400xf32>
    %mul3A_401 = arith.mulf %sub3A_399, %sub3A_400 : vector<1x8400xf32>
    %sub3A_402 = arith.subf %slice3A_384, %slice3A_382 : vector<1x8400xf32>
    %sub3A_403 = arith.subf %slice3A_385, %slice3A_383 : vector<1x8400xf32>
    %mul3A_404 = arith.mulf %sub3A_402, %sub3A_403 : vector<1x8400xf32>
    %add3A_405 = arith.addf %mul3A_401, %mul3A_404 : vector<1x8400xf32>
    %sub3A_406 = arith.subf %add3A_405, %mul3A_398 : vector<1x8400xf32>
    %add3A_407 = arith.constant 9.99999971E-10 : f32
    %add3A_408 = vector.broadcast %add3A_407 : f32 to vector<1x8400xf32>
    %add3A_409 = arith.addf %sub3A_406, %add3A_408 : vector<1x8400xf32>
    %div3A_410 = arith.divf %mul3A_398, %add3A_409 : vector<1x8400xf32>
    %add3A_411 = arith.addf %slice3A_29, %slice3A_27 : vector<1x8400xf32>
    %div3A_412 = arith.constant 2.000000e+00 : f32
    %div3A_413 = vector.broadcast %div3A_412 : f32 to vector<1x8400xf32>
    %div3A_414 = arith.divf %add3A_411, %div3A_413 : vector<1x8400xf32>
    %add3A_415 = arith.addf %slice3A_30, %slice3A_28 : vector<1x8400xf32>
    %div3A_416 = arith.constant 2.000000e+00 : f32
    %div3A_417 = vector.broadcast %div3A_416 : f32 to vector<1x8400xf32>
    %div3A_418 = arith.divf %add3A_415, %div3A_417 : vector<1x8400xf32>
    %add3A_419 = arith.addf %slice3A_384, %slice3A_382 : vector<1x8400xf32>
    %div3A_420 = arith.constant 2.000000e+00 : f32
    %div3A_421 = vector.broadcast %div3A_420 : f32 to vector<1x8400xf32>
    %div3A_422 = arith.divf %add3A_419, %div3A_421 : vector<1x8400xf32>
    %add3A_423 = arith.addf %slice3A_385, %slice3A_383 : vector<1x8400xf32>
    %div3A_424 = arith.constant 2.000000e+00 : f32
    %div3A_425 = vector.broadcast %div3A_424 : f32 to vector<1x8400xf32>
    %div3A_426 = arith.divf %add3A_423, %div3A_425 : vector<1x8400xf32>
    %sub3A_427 = arith.subf %div3A_414, %div3A_422 : vector<1x8400xf32>
    %integer_pow3A = arith.mulf %sub3A_427, %sub3A_427 : vector<1x8400xf32>
    %sub3A_428 = arith.subf %div3A_418, %div3A_426 : vector<1x8400xf32>
    %integer_pow3A_429 = arith.mulf %sub3A_428, %sub3A_428 : vector<1x8400xf32>
    %add3A_430 = arith.addf %integer_pow3A, %integer_pow3A_429 : vector<1x8400xf32>
    %max3A_431 = arith.maximumf %slice3A_29, %slice3A_384 : vector<1x8400xf32>
    %min3A_432 = arith.minimumf %slice3A_27, %slice3A_382 : vector<1x8400xf32>
    %sub3A_433 = arith.subf %max3A_431, %min3A_432 : vector<1x8400xf32>
    %max3A_434 = arith.maximumf %slice3A_30, %slice3A_385 : vector<1x8400xf32>
    %min3A_435 = arith.minimumf %slice3A_28, %slice3A_383 : vector<1x8400xf32>
    %sub3A_436 = arith.subf %max3A_434, %min3A_435 : vector<1x8400xf32>
    %mul3A_437 = arith.mulf %sub3A_433, %sub3A_433 : vector<1x8400xf32>
    %mul3A_438 = arith.mulf %sub3A_436, %sub3A_436 : vector<1x8400xf32>
    %add3A_439 = arith.addf %mul3A_437, %mul3A_438 : vector<1x8400xf32>
    %add3A_440 = arith.constant 9.99999971E-10 : f32
    %add3A_441 = vector.broadcast %add3A_440 : f32 to vector<1x8400xf32>
    %add3A_442 = arith.addf %add3A_439, %add3A_441 : vector<1x8400xf32>
    %div3A_443 = arith.divf %add3A_430, %add3A_442 : vector<1x8400xf32>
    %sub3A_444 = arith.subf %div3A_410, %div3A_443 : vector<1x8400xf32>
    %sub3A_445 = arith.subf %slice3A_29, %slice3A_27 : vector<1x8400xf32>
    %sub3A_446 = arith.subf %slice3A_30, %slice3A_28 : vector<1x8400xf32>
    %add3A_447 = arith.constant 9.99999971E-10 : f32
    %add3A_448 = vector.broadcast %add3A_447 : f32 to vector<1x8400xf32>
    %add3A_449 = arith.addf %sub3A_446, %add3A_448 : vector<1x8400xf32>
    %div3A_450 = arith.divf %sub3A_445, %add3A_449 : vector<1x8400xf32>
    %le3A_451 = arith.constant 1.000000e+00 : f32
    %le3A_452 = vector.broadcast %le3A_451 : f32 to vector<1x8400xf32>
    %le3A_453 = arith.cmpf ole, %div3A_450, %le3A_452 : vector<1x8400xf32>
    %div3A_454 = arith.constant 1.000000e+00 : f32
    %div3A_455 = vector.broadcast %div3A_454 : f32 to vector<1x8400xf32>
    %div3A_456 = arith.divf %div3A_455, %div3A_450 : vector<1x8400xf32>
    %select_n3A_457 = arith.select %le3A_453, %div3A_450, %div3A_456 : vector<1x8400xi1>, vector<1x8400xf32>
    %mul3A_458 = arith.mulf %select_n3A_457, %select_n3A_457 : vector<1x8400xf32>
    %mul3A_459 = arith.constant -0.00405405788 : f32
    %mul3A_460 = vector.broadcast %mul3A_459 : f32 to vector<1x8400xf32>
    %mul3A_461 = arith.mulf %mul3A_460, %mul3A_458 : vector<1x8400xf32>
    %add3A_462 = arith.constant 0.0218612291 : f32
    %add3A_463 = vector.broadcast %add3A_462 : f32 to vector<1x8400xf32>
    %add3A_464 = arith.addf %mul3A_461, %add3A_463 : vector<1x8400xf32>
    %mul3A_465 = arith.mulf %add3A_464, %mul3A_458 : vector<1x8400xf32>
    %add3A_466 = arith.constant -0.055909887 : f32
    %add3A_467 = vector.broadcast %add3A_466 : f32 to vector<1x8400xf32>
    %add3A_468 = arith.addf %mul3A_465, %add3A_467 : vector<1x8400xf32>
    %mul3A_469 = arith.mulf %add3A_468, %mul3A_458 : vector<1x8400xf32>
    %add3A_470 = arith.constant 0.0964200422 : f32
    %add3A_471 = vector.broadcast %add3A_470 : f32 to vector<1x8400xf32>
    %add3A_472 = arith.addf %mul3A_469, %add3A_471 : vector<1x8400xf32>
    %mul3A_473 = arith.mulf %add3A_472, %mul3A_458 : vector<1x8400xf32>
    %add3A_474 = arith.constant -0.139085338 : f32
    %add3A_475 = vector.broadcast %add3A_474 : f32 to vector<1x8400xf32>
    %add3A_476 = arith.addf %mul3A_473, %add3A_475 : vector<1x8400xf32>
    %mul3A_477 = arith.mulf %add3A_476, %mul3A_458 : vector<1x8400xf32>
    %add3A_478 = arith.constant 0.199465364 : f32
    %add3A_479 = vector.broadcast %add3A_478 : f32 to vector<1x8400xf32>
    %add3A_480 = arith.addf %mul3A_477, %add3A_479 : vector<1x8400xf32>
    %mul3A_481 = arith.mulf %add3A_480, %mul3A_458 : vector<1x8400xf32>
    %add3A_482 = arith.constant -0.333298564 : f32
    %add3A_483 = vector.broadcast %add3A_482 : f32 to vector<1x8400xf32>
    %add3A_484 = arith.addf %mul3A_481, %add3A_483 : vector<1x8400xf32>
    %mul3A_485 = arith.mulf %add3A_484, %mul3A_458 : vector<1x8400xf32>
    %add3A_486 = arith.constant 0.999999344 : f32
    %add3A_487 = vector.broadcast %add3A_486 : f32 to vector<1x8400xf32>
    %add3A_488 = arith.addf %mul3A_485, %add3A_487 : vector<1x8400xf32>
    %mul3A_489 = arith.mulf %select_n3A_457, %add3A_488 : vector<1x8400xf32>
    %sub3A_490 = arith.constant 1.57079637 : f32
    %sub3A_491 = vector.broadcast %sub3A_490 : f32 to vector<1x8400xf32>
    %sub3A_492 = arith.subf %sub3A_491, %mul3A_489 : vector<1x8400xf32>
    %select_n3A_493 = arith.select %le3A_453, %mul3A_489, %sub3A_492 : vector<1x8400xi1>, vector<1x8400xf32>
    %sub3A_494 = arith.subf %slice3A_384, %slice3A_382 : vector<1x8400xf32>
    %sub3A_495 = arith.subf %slice3A_385, %slice3A_383 : vector<1x8400xf32>
    %add3A_496 = arith.constant 9.99999971E-10 : f32
    %add3A_497 = vector.broadcast %add3A_496 : f32 to vector<1x8400xf32>
    %add3A_498 = arith.addf %sub3A_495, %add3A_497 : vector<1x8400xf32>
    %div3A_499 = arith.divf %sub3A_494, %add3A_498 : vector<1x8400xf32>
    %le3A_500 = arith.constant 1.000000e+00 : f32
    %le3A_501 = vector.broadcast %le3A_500 : f32 to vector<1x8400xf32>
    %le3A_502 = arith.cmpf ole, %div3A_499, %le3A_501 : vector<1x8400xf32>
    %div3A_503 = arith.constant 1.000000e+00 : f32
    %div3A_504 = vector.broadcast %div3A_503 : f32 to vector<1x8400xf32>
    %div3A_505 = arith.divf %div3A_504, %div3A_499 : vector<1x8400xf32>
    %select_n3A_506 = arith.select %le3A_502, %div3A_499, %div3A_505 : vector<1x8400xi1>, vector<1x8400xf32>
    %mul3A_507 = arith.mulf %select_n3A_506, %select_n3A_506 : vector<1x8400xf32>
    %mul3A_508 = arith.constant -0.00405405788 : f32
    %mul3A_509 = vector.broadcast %mul3A_508 : f32 to vector<1x8400xf32>
    %mul3A_510 = arith.mulf %mul3A_509, %mul3A_507 : vector<1x8400xf32>
    %add3A_511 = arith.constant 0.0218612291 : f32
    %add3A_512 = vector.broadcast %add3A_511 : f32 to vector<1x8400xf32>
    %add3A_513 = arith.addf %mul3A_510, %add3A_512 : vector<1x8400xf32>
    %mul3A_514 = arith.mulf %add3A_513, %mul3A_507 : vector<1x8400xf32>
    %add3A_515 = arith.constant -0.055909887 : f32
    %add3A_516 = vector.broadcast %add3A_515 : f32 to vector<1x8400xf32>
    %add3A_517 = arith.addf %mul3A_514, %add3A_516 : vector<1x8400xf32>
    %mul3A_518 = arith.mulf %add3A_517, %mul3A_507 : vector<1x8400xf32>
    %add3A_519 = arith.constant 0.0964200422 : f32
    %add3A_520 = vector.broadcast %add3A_519 : f32 to vector<1x8400xf32>
    %add3A_521 = arith.addf %mul3A_518, %add3A_520 : vector<1x8400xf32>
    %mul3A_522 = arith.mulf %add3A_521, %mul3A_507 : vector<1x8400xf32>
    %add3A_523 = arith.constant -0.139085338 : f32
    %add3A_524 = vector.broadcast %add3A_523 : f32 to vector<1x8400xf32>
    %add3A_525 = arith.addf %mul3A_522, %add3A_524 : vector<1x8400xf32>
    %mul3A_526 = arith.mulf %add3A_525, %mul3A_507 : vector<1x8400xf32>
    %add3A_527 = arith.constant 0.199465364 : f32
    %add3A_528 = vector.broadcast %add3A_527 : f32 to vector<1x8400xf32>
    %add3A_529 = arith.addf %mul3A_526, %add3A_528 : vector<1x8400xf32>
    %mul3A_530 = arith.mulf %add3A_529, %mul3A_507 : vector<1x8400xf32>
    %add3A_531 = arith.constant -0.333298564 : f32
    %add3A_532 = vector.broadcast %add3A_531 : f32 to vector<1x8400xf32>
    %add3A_533 = arith.addf %mul3A_530, %add3A_532 : vector<1x8400xf32>
    %mul3A_534 = arith.mulf %add3A_533, %mul3A_507 : vector<1x8400xf32>
    %add3A_535 = arith.constant 0.999999344 : f32
    %add3A_536 = vector.broadcast %add3A_535 : f32 to vector<1x8400xf32>
    %add3A_537 = arith.addf %mul3A_534, %add3A_536 : vector<1x8400xf32>
    %mul3A_538 = arith.mulf %select_n3A_506, %add3A_537 : vector<1x8400xf32>
    %sub3A_539 = arith.constant 1.57079637 : f32
    %sub3A_540 = vector.broadcast %sub3A_539 : f32 to vector<1x8400xf32>
    %sub3A_541 = arith.subf %sub3A_540, %mul3A_538 : vector<1x8400xf32>
    %select_n3A_542 = arith.select %le3A_502, %mul3A_538, %sub3A_541 : vector<1x8400xi1>, vector<1x8400xf32>
    %sub3A_543 = arith.subf %select_n3A_493, %select_n3A_542 : vector<1x8400xf32>
    %mul3A_544 = arith.constant 0.405284733 : f32
    %mul3A_545 = vector.broadcast %mul3A_544 : f32 to vector<1x8400xf32>
    %mul3A_546 = arith.mulf %mul3A_545, %sub3A_543 : vector<1x8400xf32>
    %mul3A_547 = arith.mulf %mul3A_546, %sub3A_543 : vector<1x8400xf32>
    %sub3A_548 = arith.subf %mul3A_547, %div3A_410 : vector<1x8400xf32>
    %add3A_549 = arith.constant 1.000000e+00 : f32
    %add3A_550 = vector.broadcast %add3A_549 : f32 to vector<1x8400xf32>
    %add3A_551 = arith.addf %sub3A_548, %add3A_550 : vector<1x8400xf32>
    %add3A_552 = arith.constant 9.99999971E-10 : f32
    %add3A_553 = vector.broadcast %add3A_552 : f32 to vector<1x8400xf32>
    %add3A_554 = arith.addf %add3A_551, %add3A_553 : vector<1x8400xf32>
    %div3A_555 = arith.divf %mul3A_547, %add3A_554 : vector<1x8400xf32>
    %mul3A_556 = arith.mulf %div3A_555, %mul3A_547 : vector<1x8400xf32>
    %sub3A_557 = arith.subf %sub3A_444, %mul3A_556 : vector<1x8400xf32>
    %sub3A_558 = arith.constant 1.000000e+00 : f32
    %sub3A_559 = vector.broadcast %sub3A_558 : f32 to vector<1x8400xf32>
    %sub3A_560 = arith.subf %sub3A_559, %sub3A_557 : vector<1x8400xf32>
    %mul3A_561 = arith.mulf %sub3A_560, %mul3A_367 : vector<1x8400xf32>
    %reduce_sum3A_562 = vector.shape_cast %mul3A_561 : vector<1x8400xf32> to vector<1x1x8400xf32>
    %reduce_sum3A_563 = arith.constant dense<0.000000e+00> : vector<1xf32>
    %reduce_sum3A_564 = vector.multi_reduction <add>, %reduce_sum3A_562, %reduce_sum3A_563 [1, 2] : vector<1x1x8400xf32> to vector<1xf32>
    %reduce_sum3A_565 = vector.shape_cast %reduce_sum3A_564 : vector<1xf32> to vector<1x1x1xf32>
    %reduce_sum3A_566 = vector.extract %reduce_sum3A_565[0, 0, 0] : f32 from vector<1x1x1xf32>
    %iota3A_567 = tpu.iota {dimensions = array<i32: 0>} : vector<8x128xi32>
    %eq3A_568 = arith.constant 1 : i32
    %eq3A_569 = vector.broadcast %eq3A_568 : i32 to vector<8x128xi32>
    %eq3A_570 = arith.cmpi eq, %iota3A_567, %eq3A_569 : vector<8x128xi32>
    %jit3A_571 = arith.constant 0.000000e+00 : f32
    %broadcast_in_dim3A_572 = vector.broadcast %reduce_sum3A_376 : f32 to vector<8x128xf32>
    %broadcast_in_dim3A_573 = vector.broadcast %jit3A_571 : f32 to vector<8x128xf32>
    %select_n3A_574 = arith.select %eq3A_570, %broadcast_in_dim3A_572, %broadcast_in_dim3A_573 : vector<8x128xi1>, vector<8x128xf32>
    %eq3A_575 = arith.constant 2 : i32
    %eq3A_576 = vector.broadcast %eq3A_575 : i32 to vector<8x128xi32>
    %eq3A_577 = arith.cmpi eq, %iota3A_567, %eq3A_576 : vector<8x128xi32>
    %jit3A_578 = arith.constant 0.000000e+00 : f32
    %broadcast_in_dim3A_579 = vector.broadcast %reduce_sum3A_381 : f32 to vector<8x128xf32>
    %broadcast_in_dim3A_580 = vector.broadcast %jit3A_578 : f32 to vector<8x128xf32>
    %select_n3A_581 = arith.select %eq3A_577, %broadcast_in_dim3A_579, %broadcast_in_dim3A_580 : vector<8x128xi1>, vector<8x128xf32>
    %add3A_582 = arith.addf %select_n3A_574, %select_n3A_581 : vector<8x128xf32>
    %eq3A_583 = arith.constant 3 : i32
    %eq3A_584 = vector.broadcast %eq3A_583 : i32 to vector<8x128xi32>
    %eq3A_585 = arith.cmpi eq, %iota3A_567, %eq3A_584 : vector<8x128xi32>
    %jit3A_586 = arith.constant 0.000000e+00 : f32
    %broadcast_in_dim3A_587 = vector.broadcast %reduce_sum3A_566 : f32 to vector<8x128xf32>
    %broadcast_in_dim3A_588 = vector.broadcast %jit3A_586 : f32 to vector<8x128xf32>
    %select_n3A_589 = arith.select %eq3A_585, %broadcast_in_dim3A_587, %broadcast_in_dim3A_588 : vector<8x128xi1>, vector<8x128xf32>
    %add3A_590 = arith.addf %add3A_582, %select_n3A_589 : vector<8x128xf32>
    %swap3A = arith.constant 0 : index
    %swap3A_591 = arith.constant 0 : index
    %swap3A_592 = arith.constant 0 : index
    %swap3A_593 = vector.load %arg6[%swap3A, %swap3A_591, %swap3A_592] : memref<1x8x128xf32, #tpu.memory_space<vmem>>, vector<1x8x128xf32>
    %swap3A_594 = vector.shape_cast %swap3A_593 : vector<1x8x128xf32> to vector<8x128xf32>
    %swap3A_595 = vector.shape_cast %add3A_590 : vector<8x128xf32> to vector<1x8x128xf32>
    tpu.vector_store %arg6[%swap3A, %swap3A_591, %swap3A_592], %swap3A_595 {strides = array<i32>} : memref<1x8x128xf32, #tpu.memory_space<vmem>>, vector<1x8x128xf32>,
    return
  }
  func.func @transform_0(%arg0: i32) -> (i32, i32, i32) {
    %c0_i32 = arith.constant 0 : i32
    %c0_i32_0 = arith.constant 0 : i32
    %c0_i32_1 = arith.constant 0 : i32
    return %arg0, %c0_i32, %c0_i32_0 : i32, i32, i32
  }
  func.func @transform_1(%arg0: i32) -> (i32, i32, i32) {
    %c0_i32 = arith.constant 0 : i32
    %c0_i32_0 = arith.constant 0 : i32
    %c0_i32_1 = arith.constant 0 : i32
    return %arg0, %c0_i32, %c0_i32_0 : i32, i32, i32
  }
  func.func @transform_2(%arg0: i32) -> (i32, i32, i32) {
    %c0_i32 = arith.constant 0 : i32
    %c0_i32_0 = arith.constant 0 : i32
    %c0_i32_1 = arith.constant 0 : i32
    return %arg0, %c0_i32, %c0_i32_0 : i32, i32, i32
  }
  func.func @transform_3(%arg0: i32) -> (i32, i32, i32) {
    %c0_i32 = arith.constant 0 : i32
    %c0_i32_0 = arith.constant 0 : i32
    %c0_i32_1 = arith.constant 0 : i32
    return %arg0, %c0_i32, %c0_i32_0 : i32, i32, i32
  }
  func.func @transform_4(%arg0: i32) -> (i32, i32) {
    %c0_i32 = arith.constant 0 : i32
    %c0_i32_0 = arith.constant 0 : i32
    %c0_i32_1 = arith.constant 0 : i32
    return %c0_i32, %c0_i32_0 : i32, i32
  }
  func.func @transform_5(%arg0: i32) -> (i32, i32, i32) {
    %c0_i32 = arith.constant 0 : i32
    %c0_i32_0 = arith.constant 0 : i32
    %c0_i32_1 = arith.constant 0 : i32
    return %arg0, %c0_i32, %c0_i32_0 : i32, i32, i32
  }
}

</mosaic_0001>

<sc_bundles>
// kernel: kernel.4.cloned.1.call-start
scs
__scs_entry_jumppad:
0x0: {  	(pc) =	sbr.rel $0x88, $3  }
0x1: {  	(tag) =	ssettag $0x0;
	lr =	simm.s32 $0x1  }
0x2: {  	[smem:$0x3F9C] =	sst lr;
	_ =	strace $0xD0000000  }
0x3: {  	_ = 	snop  }
0x4: {  	_ = 	snop  }
0x5: {  	_ = 	snop  }
0x6: {  	_ = 	snop  }
0x7: {  	_ = 	snop  }
__scs_overlays_trampoline_lowered:
0x8: {  	[smem:$0x3FAB] =	sst s0  }
0x9: {  	[smem:$0x3FAC] =	sst s1  }
0xa: {  	[smem:$0x3FAD] =	sst s2  }
0xb: {  	[smem:$0x3FAE] =	sst s3  }
0xc: {  	[smem:$0x3FAF] =	sst s4  }
0xd: {  	[smem:$0x3FB0] =	sst s5  }
0xe: {  	[smem:$0x3FB1] =	sst s6  }
0xf: {  	[smem:$0x3FB2] =	sst s7  }
0x10: {  	[smem:$0x3FB3] =	sst s8  }
0x11: {  	[smem:$0x3FB4] =	sst s9;
	s0 =	simm.s32 @!p0 $0x0  }
0x12: {  	s1 =	sld [smem:$0x3F9A];
	s0 =	simm.s32 @p0 $0x1  }
0x13: {  	[smem:$0x3FB5] =	sst s0;
	s0 =	simm.s32 @!p1 $0x0  }
0x14: {  	s2 =	sld [smem:$0x3F99];
	s0 =	simm.s32 @p1 $0x1  }
0x15: {  	[smem:$0x3FB6] =	sst s0;
	s0 =	simm.s32 @!p2 $0x0  }
0x16: {  	s3 =	sld [smem:$0x3FDB];
	s0 =	simm.s32 @p2 $0x1  }
0x17: {  	s4 =	simm.s32 $0x1BF5;
	[smem:$0x3FB8] =	sst s0  }
0x18: {  	s0 =	sld [smem:$0x3F9B];
	_ =	swait.ge [sflag:s4], $0x0  }
0x19: {  	s7 =	sld [smem:$0x3F9C]  }
0x1a: {  	s8 =	sadd.s32 $0xFFFFE003, lr  }
0x1b: {  	s9 =	sadd.s32 $0xFFFFFEF7, lr;
	s5 =	simm.s32 $0xFFFFFFFF;
	p2 =	slt.u32 s8, $0xFFFFF086  }
0x1c: {  	p1 =	slt.u32 s9, $0xF7A;
	s5 =	simm.s32 @!p2 $0x0  }
0x1d: {  	s5 =	simm.s32 @p1 $0x1;
	p0 =	seq.s32 s7, s2  }
0x1e: {  	s7 =	smul.u32 @!p0 $0xF7A, s2;
	p2 =	seq.s32 @!p0 s5, $0x0  }
0x1f: {  	s9 =	smul.u32 $0xF7A, s1;
	s8 =	simm.s32 @!p0 $0x1BF5;
	p2 =	por !p2, p0  }
0x20: {  	[sflag:s8] =	ssyncset.s32 @!p0 $0xFFFFF086;
	s6 =	sadd.s32 @!p0 s3, s7;
	s7 =	simm.s32 @!p0 $0x108  }
0x21: {  	s3 =	sadd.s32 s3, s9;
	s6 =	sadd.s32 @!p0 $0x88, s6;
	s7 =	simm.s32 @p2 $0x1082  }
0x22: {  	[simem:s7], [sflag:s8] =	dma.local @!p0 [hbm:s6], $0xF7A  }
0x23: {  	s9 =	sor.u32 $0xD0000000, s2;
	s6 =	simm.s32 $0x108;
	_ =	swait.ge @!p0 [sflag:s8], $0x0  }
0x24: {  	s3 =	sadd.s32 $0x88, s3;
	s6 =	simm.s32 @!p1 $0x1082;
	[sflag:s4] =	ssyncset.s32 $0xFFFFF086  }
0x25: {  	[simem:s6], [sflag:s4] =	dma.local [hbm:s3], $0xF7A  }
0x26: {  	[smem:$0x3F9C] =	sst s1;
	(tag) =	ssettag s2;
	_ =	strace s9  }
0x27: {  	s1 =	sld [smem:$0x3FAC]  }
0x28: {  	s2 =	sld [smem:$0x3FAD]  }
0x29: {  	s4 =	sld [smem:$0x3FAF]  }
0x2a: {  	p0 =	seq.s32 s5, $0x0;
	s5 =	sld [smem:$0x3FB0]  }
0x2b: {  	s6 =	sld [smem:$0x3FB1]  }
0x2c: {  	s7 =	sld [smem:$0x3FB2]  }
0x2d: {  	s3 =	simm.s32 $0x108;
	s8 =	sld [smem:$0x3FB3]  }
0x2e: {  	s3 =	simm.s32 @!p0 $0x1082;
	s9 =	sld [smem:$0x3FB4]  }
0x2f: {  	lr =	sadd.s32 s0, s3;
	s0 =	sld [smem:$0x3FAB]  }
0x30: {  	s3 =	sld [smem:$0x3FAE]  }
0x31: {  	[smem:$0x3FB7] =	sst s10  }
0x32: {  	s10 =	sld [smem:$0x3FB5];
	_ =	sdelay $0x3  }
0x33: {  	p0 =	seq.s32 s10, $0x1;
	s10 =	sld [smem:$0x3FB7];
	_ =	sdelay $0x3  }
0x34: {  	[smem:$0x3FB7] =	sst s10  }
0x35: {  	s10 =	sld [smem:$0x3FB6];
	_ =	sdelay $0x3  }
0x36: {  	p1 =	seq.s32 s10, $0x1;
	s10 =	sld [smem:$0x3FB7];
	_ =	sdelay $0x3  }
0x37: {  	[smem:$0x3FB7] =	sst s10  }
0x38: {  	s10 =	sld [smem:$0x3FB8]  }
0x39: {  	_ = 	snop;
	(pc) =	sbr.ind lr, $3  }
0x3a: {  	_ = 	snop  }
0x3b: {  	_ = 	snop  }
0x3c: {  	p2 =	seq.s32 s10, $0x1;
	s10 =	sld [smem:$0x3FB7]  }
0x3d: {  	_ =	shalt  }
0x3e: {  	_ =	shalt  }
0x3f: {  	_ =	shalt  }
0x40: {  	_ =	shalt  }
0x41: {  	_ =	shalt  }
0x42: {  	_ =	shalt  }
0x43: {  	_ =	shalt  }
0x44: {  	_ =	shalt  }
0x45: {  	_ =	shalt  }
0x46: {  	_ =	shalt  }
0x47: {  	_ =	shalt  }
0x48: {  	_ =	shalt  }
0x49: {  	_ =	shalt  }
0x4a: {  	_ =	shalt  }
0x4b: {  	_ =	shalt  }
0x4c: {  	_ =	shalt  }
0x4d: {  	_ =	shalt  }
0x4e: {  	_ =	shalt  }
0x4f: {  	_ =	shalt  }
0x50: {  	_ =	shalt  }
0x51: {  	_ =	shalt  }
0x52: {  	_ =	shalt  }
0x53: {  	_ =	shalt  }
0x54: {  	_ =	shalt  }
0x55: {  	_ =	shalt  }
0x56: {  	_ =	shalt  }
0x57: {  	_ =	shalt  }
0x58: {  	_ =	shalt  }
0x59: {  	_ =	shalt  }
0x5a: {  	_ =	shalt  }
0x5b: {  	_ =	shalt  }
0x5c: {  	_ =	shalt  }
0x5d: {  	_ =	shalt  }
0x5e: {  	_ =	shalt  }
0x5f: {  	_ =	shalt  }
0x60: {  	_ =	shalt  }
0x61: {  	_ =	shalt  }
0x62: {  	_ =	shalt  }
0x63: {  	_ =	shalt  }
0x64: {  	_ =	shalt  }
0x65: {  	_ =	shalt  }
0x66: {  	_ =	shalt  }
0x67: {  	_ =	shalt  }
0x68: {  	_ =	shalt  }
0x69: {  	_ =	shalt  }
0x6a: {  	_ =	shalt  }
0x6b: {  	_ =	shalt  }
0x6c: {  	_ =	shalt  }
0x6d: {  	_ =	shalt  }
0x6e: {  	_ =	shalt  }
0x6f: {  	_ =	shalt  }
0x70: {  	_ =	shalt  }
0x71: {  	_ =	shalt  }
0x72: {  	_ =	shalt  }
0x73: {  	_ =	shalt  }
0x74: {  	_ =	shalt  }
0x75: {  	_ =	shalt  }
0x76: {  	_ =	shalt  }
0x77: {  	_ =	shalt  }
0x78: {  	_ =	shalt  }
0x79: {  	_ =	shalt  }
0x7a: {  	_ =	shalt  }
0x7b: {  	_ =	shalt  }
0x7c: {  	_ =	shalt  }
0x7d: {  	_ =	shalt  }
0x7e: {  	_ =	shalt  }
0x7f: {  	_ =	shalt  }
0x80: {  	_ =	shalt  }
0x81: {  	_ =	shalt  }
0x82: {  	_ =	shalt  }
0x83: {  	_ =	shalt  }
0x84: {  	_ =	shalt  }
0x85: {  	_ =	shalt  }
0x86: {  	_ =	shalt  }
0x87: {  	_ =	shalt  }
.Lfunc_end0:
.L_simem_size_0:
called_computation_lowered:
.L_overlay_start_0:
0x88: {  	s2 =	sld [smem:$0x3FD9]  }
0x89: {  	s3 =	sld [smem:$0x3FFE];
	_ =	sdelay $0x1  }
0x8a: {  	s1 =	srdreg.scid  }
0x8b: {  	s0 =	sand.u32 $0x1, s1  }
0x8c: {  	s16 =	sshll.u32 s0, $0xA;
	s2 =	sadd.s32 s3, s2  }
0x8d: {  	s2 =	sadd.s32 s2, s16  }
0x8e: {  	[smem:$0x3FC3] =	sst s2  }
0x8f: {  	_ = 	snop  }
0x90: {  	(tm) =	ssettm $0x1  }
0x91: {  	s17 =	sld [smem:$0x3FFB];
	_ =	sdelay $0x3  }
0x92: {  	_ =	strace s17  }
0x93: {  	s2 =	sld [smem:$0x3FFC];
	_ =	sdelay $0x3  }
0x94: {  	_ =	strace s2  }
0x95: {  	s2 =	sld [smem:$0x3FFD];
	_ =	sdelay $0x3  }
0x96: {  	_ =	strace s2  }
0x97: {  	_ =	strace $0x8FFFFFFF  }
0x98: {  	s18 =	sld [smem:$0x3FDB];
	_ =	sdelay $0x1  }
0x99: {  	s19 =	simm.s32 $_scs_section_size  }
0x9a: {  	s4 =	simm.s32 $_size__tile_overlayer_lowered;
	s5 =	simm.s32 $_tile_overlayer_lowered  }
0x9b: {  	s22 =	simm.s32 $0x1BFF;
	s21 =	sshll.u32 s5, $0x1;
	s2 =	sadd.s32 s19, s18  }
0x9c: {  	s6 =	simm.s32 $0x0;
	s20 =	sshll.u32 s4, $0x1;
	s4 =	sadd.s32 s21, s2  }
0x9d: {  	[timem:s6], [sflag:s22] =	dma.local [hbm:s4], s20  }
0x9e: {  	_ =	swait.ge [sflag:s22], s20  }
0x9f: {  	s3 =	ssub.s32 $0x0, s20;
	[sflag:s22] =	ssyncset.done $0x0  }
0xa0: {  	[sflag:s22] =	ssyncadd.s32 s3;
	_ =	sdelay $0x1  }
0xa1: {  	s23 =	simm.s32 $0x1B8B  }
0xa2: {  	_ =	swait.ge [sflag:s23], $0x1  }
0xa3: {  	[sflag:s23] =	ssyncset.done $0x0  }
0xa4: {  	s25 =	simm.s32 $0x1B8E;
	s24 =	sld [smem:$0x3FFE];
	[sflag:s23] =	ssyncadd.s32 $0xFFFFFFFF  }
0xa5: {  	s26 =	simm.s32 $execute0_lowered;
	[smem:$0x3FD2] =	sst s25  }
0xa6: {  	s4 =	sshll.u32 s26, $0x1;
	_ =	strace $0x80000046;
	[dreg:$0x1] =	wrdreg $0xFFFFFFFF  }
0xa7: {  	s28 =	simm.s32 $_size_execute0_lowered;
	s2 =	sadd.s32 s2, s4;
	[dreg:$0x0] =	wrdreg $0x0  }
0xa8: {  	s4 =	sshll.u32 s28, $0x1;
	[dreg:$0x2] =	wrdreg s2  }
0xa9: {  	[dreg:$0x3] =	wrdreg s4  }
0xaa: {  	[dreg:$0x4] =	wrdreg $0xC0  }
0xab: {  	_ =	task [dreg:s6], $0x5FFFF  }
0xac: {  	[dreg:$0x1] =	wrdreg $0xFFFFFFFF  }
0xad: {  	[dreg:$0x0] =	wrdreg $0x60  }
0xae: {  	[dreg:$0x2] =	wrdreg s24  }
0xaf: {  	[dreg:$0x3] =	wrdreg $0x9  }
0xb0: {  	_ =	task.clear_ibuf [dreg:s6], $0x4FFFF;
	_ =	strace $0x90000046  }
0xb1: {  	s29 =	simm.s32 $0x9;
	_ =	strace $0x80000048  }
0xb2: {  	_ =	swait.ge [sflag:s29], $0x1  }
0xb3: {  	[sflag:s29] =	ssyncadd.s32 $0xFFFFFFFF  }
0xb4: {  	_ =	strace $0x90000048  }
0xb5: {  	_ =	sfence  }
0xb6: {  	s30 =	sld [smem:$0x0];
	_ =	sdelay $0x2  }
0xb7: {  	s31 =	sshll.u32 s1, $0xD;
	s1 =	sshrl.u32 s1, $0x2  }
0xb8: {  	s3 =	sand.u32 $0x4000, s31;
	s1 =	sadd.s32 s1, s30  }
0xb9: {  	s0 =	sor.u32 s3, s0;
	s1 =	sshll.u32 s1, $0x11  }
0xba: {  	s0 =	sor.u32 s1, s0  }
0xbb: {  	s0 =	sadd.s32 $0x8F2B, s0  }
0xbc: {  	[sflag:s0] =	ssyncadd.remote.s32 $0x1  }
0xbd: {  	_ =	sfence.sel $0xFFFF  }
0xbe: {  	[dreg:$0x0] =	wrdreg $0xFFFFFFFF;
	(pc) =	sbr.abs _section_cstart, $3  }
0xbf: {  	[dreg:$0x1] =	wrdreg $0xFFFFFFFF  }
0xc0: {  	_ =	task.clear_ibuf [dreg:s6], $0x2FFFF;
	_ =	strace $0x9FFFFFFF  }
0xc1: {  	(tm) =	ssettm $0x7FFFFFFF  }
tec
execute0_lowered:
.L_overlay_start_1:
0x0: {  	(tag) =	ssettag $0x1  }
0x1: {  	s1 =	srdreg.scid;
	s0 =	stileid.u32  }
0x2: {  	s5 =	rddreg [dreg:$0x0];
	s3 =	sand.u32 $0x1, s1;
	s30 =	sshll.u32 s0, $0x1  }
0x3: {  	s2 =	simm.s32 $0x0;
	s11 =	simm.s32 $0x1;
	s4 =	sor.u32 s3, s30  }
0x4: {  	s12 =	simm.s32 $0x6D80;
	s1 =	rddreg [dreg:$0x1];
	s6 =	smul.u32 $0x29040, s4  }
0x5: {  	s13 =	simm.s32 $0x0;
	[smem:$0x7FF] =	sst s2;
	s4 =	sshll.u32 s4, $0x4  }
0x6: {  	_ =	strace $0x80000047;
	s9 =	sadd.s32 s4, s5;
	s6 =	sshrl.u32 s6, $0x3  }
0x7: {  	s31 =	ssub.s32 $0x2, s3;
	s9 =	sadd.s32 $0x1AAA00, s9;
	s8 =	sadd.s32 s6, s5  }
0x8: {  	s7 =	sshrl.u32 s31, $0x1;
	s3 =	sadd.s32 $0x106800, s8;
	s4 =	sadd.s32 $0x1075AC, s8  }
0x9: {  	s10 =	ssub.s32 s31, s7;
	s5 =	sadd.s32 $0x108358, s8;
	s6 =	sadd.s32 $0x109104, s8  }
0xa: {  	v0 =	vimm.f32 $0.0e+00;
	s10 =	smax.u32 s10, $0x1;
	s7 =	sadd.s32 $0x109EB0, s8;
	s8 =	sadd.s32 $0x10AC5C, s8  }
.LBB2_1:
0xb: {  	[tilespmem:$0x6D80] =	vst v0  }
0xc: {  	[tilespmem:s2], [sflag:$0x1] =	stream.linear.gather [hbm4b:s3+s2], $0x6D60, $0x38;
	[tilespmem:$0x6E00] =	vst v63  }
0xd: {  	_ =	swait.ge [sflag:s11], $0x6D60  }
0xe: {  	[sflag:s11] =	ssyncset.done $0x0  }
0xf: {  	s14 =	simm.s32 $0x0;
	[sflag:s11] =	ssyncadd.s32 $0xFFFF92A0  }
0x10: {  	v11 =	vld [tilespmem:s14+$0x0];
	_ =	sdelay $0x4  }
0x11: {  	v1 =	vand.u32 $0x7FFFFFFF, v11  }
0x12: {  	v1 =	vsub.f32 $0.0e+00, v1;
	_ =	sdelay $0x1  }
0x13: {  	s25 =	simm.s32 $0x10;
	v1 =	vmul.f32 $1.442695020e+00, v1  }
0x14: {  	v5 =	vld [tilespmem:s25+$0x0]  }
0x15: {  	(erf) = vpow2.f32 v1;
	_ =	sdelay $0x3  }
0x16: {  	s26 =	simm.s32 $0x20;
	v1 =	vand.u32 $0x7FFFFFFF, v5  }
0x17: {  	v2 =	vsub.f32 $0.0e+00, v1;
	v1 =	vld [tilespmem:s26+$0x0];
	_ =	sdelay $0x2  }
0x18: {  	v2 =	vmul.f32 $1.442695020e+00, v2  }
0x19: {  	v12 =	vpop (erf)  }
0x1a: {  	(erf) = vpow2.f32 v2;
	v2 =	vand.u32 $0x7FFFFFFF, v1;
	v3 =	vmul.f32 $-6.074752660e-03, v12  }
0x1b: {  	v4 =	vsub.f32 $0.0e+00, v2  }
0x1c: {  	s28 =	simm.s32 $0x30;
	v3 =	vadd.f32 $3.441791240e-02, v3  }
0x1d: {  	v2 =	vld [tilespmem:s28+$0x0];
	v4 =	vmul.f32 $1.442695020e+00, v4  }
0x1e: {  	v3 =	vmul.f32 v3, v12  }
0x1f: {  	(erf) = vpow2.f32 v4  }
0x20: {  	v3 =	vadd.f32 $-9.231230610e-02, v3;
	_ =	sdelay $0x1  }
0x21: {  	v4 =	vand.u32 $0x7FFFFFFF, v2;
	v7 =	vmul.f32 v3, v12  }
0x22: {  	v4 =	vsub.f32 $0.0e+00, v4;
	v8 =	vpop (erf)  }
0x23: {  	v6 =	vmul.f32 $-6.074752660e-03, v8;
	v7 =	vadd.f32 $1.647818830e-01, v7  }
0x24: {  	s29 =	simm.s32 $0x40;
	v4 =	vmul.f32 $1.442695020e+00, v4  }
0x25: {  	v6 =	vadd.f32 $3.441791240e-02, v6;
	v3 =	vld [tilespmem:s29+$0x0]  }
0x26: {  	(erf) = vpow2.f32 v4  }
0x27: {  	v6 =	vmul.f32 v6, v8;
	v4 =	vmul.f32 v7, v12;
	v7 =	vpop (erf)  }
0x28: {  	v9 =	vmul.f32 $-6.074752660e-03, v7  }
0x29: {  	v6 =	vadd.f32 $-9.231230610e-02, v6  }
0x2a: {  	v10 =	vand.u32 $0x7FFFFFFF, v3;
	v4 =	vadd.f32 $-2.391897290e-01, v4;
	v9 =	vadd.f32 $3.441791240e-02, v9  }
0x2b: {  	v6 =	vmul.f32 v6, v8;
	v10 =	vsub.f32 $0.0e+00, v10  }
0x2c: {  	s30 =	simm.s32 $0x50;
	v13 =	vmul.f32 v4, v12;
	v9 =	vmul.f32 v9, v7  }
0x2d: {  	v6 =	vadd.f32 $1.647818830e-01, v6;
	v4 =	vld [tilespmem:s30+$0x0];
	v10 =	vmul.f32 $1.442695020e+00, v10  }
0x2e: {  	v13 =	vadd.f32 $3.313336670e-01, v13  }
0x2f: {  	v6 =	vmul.f32 v6, v8;
	(erf) = vpow2.f32 v10  }
0x30: {  	v13 =	vmul.f32 v13, v12;
	v10 =	vadd.f32 $-9.231230610e-02, v9;
	v9 =	vpop (erf)  }
0x31: {  	v6 =	vadd.f32 $-2.391897290e-01, v6;
	v14 =	vmul.f32 $-6.074752660e-03, v9  }
0x32: {  	v15 =	vand.u32 $0x7FFFFFFF, v4;
	v13 =	vadd.f32 $-4.998010990e-01, v13;
	v10 =	vmul.f32 v10, v7  }
0x33: {  	v16 =	vmul.f32 v6, v8;
	v15 =	vsub.f32 $0.0e+00, v15;
	v14 =	vadd.f32 $3.441791240e-02, v14  }
0x34: {  	s31 =	simm.s32 $0x60;
	v13 =	vmul.f32 v13, v12;
	v10 =	vadd.f32 $1.647818830e-01, v10  }
0x35: {  	v6 =	vld [tilespmem:s31+$0x0];
	v16 =	vadd.f32 $3.313336670e-01, v16;
	v15 =	vmul.f32 $1.442695020e+00, v15;
	v14 =	vmul.f32 v14, v9  }
0x36: {  	v13 =	vadd.f32 $9.999914760e-01, v13;
	v17 =	vmul.f32 v10, v7  }
0x37: {  	v16 =	vmul.f32 v16, v8;
	(erf) = vpow2.f32 v15;
	v14 =	vadd.f32 $-9.231230610e-02, v14  }
0x38: {  	v18 =	vmul.f32 v13, v12;
	v13 =	vmax.f32 v11, $0.0e+00;
	v10 =	vpop (erf);
	v17 =	vadd.f32 $-2.391897290e-01, v17  }
0x39: {  	v11 =	vld [tilespmem:$0x6D80];
	v19 =	vmul.f32 $-6.074752660e-03, v10;
	v15 =	vmul.f32 v14, v9;
	v14 =	vadd.f32 $-4.998010990e-01, v16  }
0x3a: {  	v20 =	vand.u32 $0x7FFFFFFF, v6;
	v12 =	vmul.f32 v17, v7;
	v16 =	vadd.f32 $9.099033340e-08, v18  }
0x3b: {  	s14 =	simm.s32 $0x1C0;
	v18 =	vsub.f32 $0.0e+00, v20;
	v17 =	vadd.f32 $3.441791240e-02, v19;
	v14 =	vmul.f32 v14, v8  }
.LBB2_2:
0x3c: {  	s15 =	sshra.s32 s14, $0x2;
	p0 =	sne.s32 s14, $0x1B540;
	s14 =	sadd.s32 $0x40, s14;
	v15 =	vadd.f32 $1.647818830e-01, v15;
	v13 =	vadd.f32 v16, v13;
	v16 =	vmovc v8;
	v8 =	vmovc v7;
	v7 =	vmov v9  }
0x3d: {  	v12 =	vadd.f32 $3.313336670e-01, v12;
	v9 =	vmovc v10;
	v19 =	vld [tilespmem:s15+$0x0];
	v18 =	vmul.f32 $1.442695020e+00, v18;
	v17 =	vmul.f32 v17, v10  }
0x3e: {  	v14 =	vadd.f32 $9.999914760e-01, v14;
	v15 =	vmul.f32 v15, v7;
	v11 =	vadd.f32 v13, v11  }
.Ltmp0:
0x3f: {  	v12 =	vmul.f32 v12, v8;
	(erf) = vpow2.f32 v18;
	v17 =	vadd.f32 $-9.231230610e-02, v17;
	(pc) =	sbr.rel @p0 .LBB2_2-.Ltmp0, $4  }
0x40: {  	v13 =	vmax.f32 v5, $0.0e+00;
	v14 =	vmul.f32 v14, v16;
	v10 =	vpop (erf);
	v18 =	vadd.f32 $-2.391897290e-01, v15  }
0x41: {  	v5 =	vmovc v1;
	v1 =	vmovc v2;
	v21 =	vadd.f32 $-4.998010990e-01, v12;
	v20 =	vmul.f32 $-6.074752660e-03, v10;
	v15 =	vmul.f32 v17, v9  }
0x42: {  	v2 =	vmovc v3;
	v3 =	vmovc v4;
	v16 =	vadd.f32 $9.099033340e-08, v14;
	v17 =	vand.u32 $0x7FFFFFFF, v19;
	v12 =	vmul.f32 v18, v7  }
0x43: {  	v4 =	vmovc v6;
	v14 =	vmul.f32 v21, v8;
	v6 =	vmovc v19;
	v18 =	vsub.f32 $0.0e+00, v17;
	v17 =	vadd.f32 $3.441791240e-02, v20  }
0x44: {  	_ = 	snop  }
0x45: {  	v18 =	vmul.f32 $1.442695020e+00, v18;
	_ =	sdelay $0x1  }
0x46: {  	(erf) = vpow2.f32 v18;
	_ =	sdelay $0x6  }
0x47: {  	v18 =	vpop (erf)  }
0x48: {  	v19 =	vmul.f32 $-6.074752660e-03, v18  }
0x49: {  	v17 =	vmul.f32 v17, v10;
	v20 =	vpop (erf)  }
0x4a: {  	v19 =	vadd.f32 $3.441791240e-02, v19;
	v21 =	vmul.f32 $-6.074752660e-03, v20  }
0x4b: {  	v17 =	vadd.f32 $-9.231230610e-02, v17  }
0x4c: {  	v19 =	vmul.f32 v19, v18;
	v21 =	vadd.f32 $3.441791240e-02, v21  }
0x4d: {  	v15 =	vadd.f32 $1.647818830e-01, v15;
	v17 =	vmul.f32 v17, v10  }
0x4e: {  	v13 =	vadd.f32 v16, v13;
	v16 =	vadd.f32 $-9.231230610e-02, v19;
	v19 =	vmul.f32 v21, v20  }
0x4f: {  	v15 =	vmul.f32 v15, v9;
	v17 =	vadd.f32 $1.647818830e-01, v17  }
0x50: {  	v11 =	vadd.f32 v13, v11;
	v13 =	vmul.f32 v16, v18;
	v16 =	vadd.f32 $-9.231230610e-02, v19  }
0x51: {  	v12 =	vadd.f32 $3.313336670e-01, v12;
	v15 =	vadd.f32 $-2.391897290e-01, v15;
	v17 =	vmul.f32 v17, v10  }
0x52: {  	v14 =	vadd.f32 $9.999914760e-01, v14;
	v13 =	vadd.f32 $1.647818830e-01, v13;
	v16 =	vmul.f32 v16, v20  }
0x53: {  	v12 =	vmul.f32 v12, v7;
	v15 =	vmul.f32 v15, v9;
	v17 =	vadd.f32 $-2.391897290e-01, v17  }
0x54: {  	v8 =	vmul.f32 v14, v8;
	v13 =	vmul.f32 v13, v18;
	v14 =	vadd.f32 $1.647818830e-01, v16  }
0x55: {  	v12 =	vadd.f32 $-4.998010990e-01, v12;
	v15 =	vadd.f32 $3.313336670e-01, v15;
	v16 =	vmul.f32 v17, v10  }
0x56: {  	v5 =	vmax.f32 v5, $0.0e+00;
	v13 =	vadd.f32 $-2.391897290e-01, v13;
	v14 =	vmul.f32 v14, v20  }
0x57: {  	v12 =	vmul.f32 v12, v7;
	v15 =	vmul.f32 v15, v9;
	v16 =	vadd.f32 $3.313336670e-01, v16  }
0x58: {  	v8 =	vadd.f32 $9.099033340e-08, v8;
	v13 =	vmul.f32 v13, v18;
	v14 =	vadd.f32 $-2.391897290e-01, v14  }
0x59: {  	v12 =	vadd.f32 $9.999914760e-01, v12;
	v15 =	vadd.f32 $-4.998010990e-01, v15;
	v16 =	vmul.f32 v16, v10  }
0x5a: {  	v5 =	vadd.f32 v8, v5;
	v8 =	vadd.f32 $3.313336670e-01, v13;
	v13 =	vmul.f32 v14, v20  }
0x5b: {  	v7 =	vmul.f32 v12, v7;
	v12 =	vmul.f32 v15, v9;
	v14 =	vadd.f32 $-4.998010990e-01, v16  }
0x5c: {  	v5 =	vadd.f32 v5, v11;
	v8 =	vmul.f32 v8, v18;
	v11 =	vadd.f32 $3.313336670e-01, v13  }
0x5d: {  	v7 =	vadd.f32 $9.099033340e-08, v7;
	v12 =	vadd.f32 $9.999914760e-01, v12;
	v13 =	vmul.f32 v14, v10  }
0x5e: {  	v1 =	vmax.f32 v1, $0.0e+00;
	v8 =	vadd.f32 $-4.998010990e-01, v8;
	v11 =	vmul.f32 v11, v20  }
0x5f: {  	v1 =	vadd.f32 v7, v1;
	v7 =	vmul.f32 v12, v9;
	v9 =	vadd.f32 $9.999914760e-01, v13  }
0x60: {  	v8 =	vmul.f32 v8, v18;
	v11 =	vadd.f32 $-4.998010990e-01, v11  }
0x61: {  	v1 =	vadd.f32 v1, v5;
	v5 =	vadd.f32 $9.099033340e-08, v7;
	v7 =	vmul.f32 v9, v10  }
0x62: {  	v2 =	vmax.f32 v2, $0.0e+00;
	v8 =	vadd.f32 $9.999914760e-01, v8;
	v9 =	vmul.f32 v11, v20  }
0x63: {  	v2 =	vadd.f32 v5, v2;
	v5 =	vadd.f32 $9.099033340e-08, v7  }
0x64: {  	v3 =	vmax.f32 v3, $0.0e+00;
	v7 =	vmul.f32 v8, v18;
	v8 =	vadd.f32 $9.999914760e-01, v9  }
0x65: {  	v1 =	vadd.f32 v2, v1;
	v2 =	vadd.f32 v5, v3  }
0x66: {  	v3 =	vadd.f32 $9.099033340e-08, v7;
	v5 =	vmul.f32 v8, v20  }
0x67: {  	v1 =	vadd.f32 v2, v1;
	v2 =	vmax.f32 v4, $0.0e+00  }
0x68: {  	v2 =	vadd.f32 v3, v2;
	v3 =	vadd.f32 $9.099033340e-08, v5  }
0x69: {  	v4 =	vmax.f32 v6, $0.0e+00  }
0x6a: {  	v1 =	vadd.f32 v2, v1;
	v2 =	vadd.f32 v3, v4;
	_ =	sdelay $0x1  }
0x6b: {  	v1 =	vadd.f32 v2, v1;
	_ =	sdelay $0x1  }
0x6c: {  	s14 =	simm.s32 $0x0;
	[tilespmem:$0x6D80] =	vst v1  }
0x6d: {  	[tilespmem:s14], [sflag:$0x1] =	stream.linear.gather [hbm4b:s4+s14], $0x6D60, $0x38;
	[tilespmem:$0x6E00] =	vst v63  }
0x6e: {  	_ =	swait.ge [sflag:s11], $0x6D60  }
0x6f: {  	[sflag:s11] =	ssyncset.done $0x0  }
0x70: {  	s24 =	simm.s32 $0x0;
	[sflag:s11] =	ssyncadd.s32 $0xFFFF92A0  }
0x71: {  	v11 =	vld [tilespmem:s24+$0x0];
	_ =	sdelay $0x4  }
0x72: {  	v1 =	vand.u32 $0x7FFFFFFF, v11  }
0x73: {  	v1 =	vsub.f32 $0.0e+00, v1;
	_ =	sdelay $0x1  }
0x74: {  	s25 =	simm.s32 $0x10;
	v1 =	vmul.f32 $1.442695020e+00, v1  }
0x75: {  	v5 =	vld [tilespmem:s25+$0x0]  }
0x76: {  	(erf) = vpow2.f32 v1;
	_ =	sdelay $0x3  }
0x77: {  	s26 =	simm.s32 $0x20;
	v1 =	vand.u32 $0x7FFFFFFF, v5  }
0x78: {  	v2 =	vsub.f32 $0.0e+00, v1;
	v1 =	vld [tilespmem:s26+$0x0];
	_ =	sdelay $0x2  }
0x79: {  	v2 =	vmul.f32 $1.442695020e+00, v2  }
0x7a: {  	v12 =	vpop (erf)  }
0x7b: {  	(erf) = vpow2.f32 v2;
	v2 =	vand.u32 $0x7FFFFFFF, v1;
	v3 =	vmul.f32 $-6.074752660e-03, v12  }
0x7c: {  	v4 =	vsub.f32 $0.0e+00, v2  }
0x7d: {  	s28 =	simm.s32 $0x30;
	v3 =	vadd.f32 $3.441791240e-02, v3  }
0x7e: {  	v2 =	vld [tilespmem:s28+$0x0];
	v4 =	vmul.f32 $1.442695020e+00, v4  }
0x7f: {  	v3 =	vmul.f32 v3, v12  }
0x80: {  	(erf) = vpow2.f32 v4  }
0x81: {  	v3 =	vadd.f32 $-9.231230610e-02, v3;
	_ =	sdelay $0x1  }
0x82: {  	v4 =	vand.u32 $0x7FFFFFFF, v2;
	v7 =	vmul.f32 v3, v12  }
0x83: {  	v4 =	vsub.f32 $0.0e+00, v4;
	v8 =	vpop (erf)  }
0x84: {  	v6 =	vmul.f32 $-6.074752660e-03, v8;
	v7 =	vadd.f32 $1.647818830e-01, v7  }
0x85: {  	s29 =	simm.s32 $0x40;
	v4 =	vmul.f32 $1.442695020e+00, v4  }
0x86: {  	v6 =	vadd.f32 $3.441791240e-02, v6;
	v3 =	vld [tilespmem:s29+$0x0]  }
0x87: {  	(erf) = vpow2.f32 v4  }
0x88: {  	v6 =	vmul.f32 v6, v8;
	v4 =	vmul.f32 v7, v12;
	v7 =	vpop (erf)  }
0x89: {  	v9 =	vmul.f32 $-6.074752660e-03, v7  }
0x8a: {  	v6 =	vadd.f32 $-9.231230610e-02, v6  }
0x8b: {  	v10 =	vand.u32 $0x7FFFFFFF, v3;
	v4 =	vadd.f32 $-2.391897290e-01, v4;
	v9 =	vadd.f32 $3.441791240e-02, v9  }
0x8c: {  	v6 =	vmul.f32 v6, v8;
	v10 =	vsub.f32 $0.0e+00, v10  }
0x8d: {  	s30 =	simm.s32 $0x50;
	v13 =	vmul.f32 v4, v12;
	v9 =	vmul.f32 v9, v7  }
0x8e: {  	v6 =	vadd.f32 $1.647818830e-01, v6;
	v4 =	vld [tilespmem:s30+$0x0];
	v10 =	vmul.f32 $1.442695020e+00, v10  }
0x8f: {  	v13 =	vadd.f32 $3.313336670e-01, v13  }
0x90: {  	v6 =	vmul.f32 v6, v8;
	(erf) = vpow2.f32 v10  }
0x91: {  	v13 =	vmul.f32 v13, v12;
	v10 =	vadd.f32 $-9.231230610e-02, v9;
	v9 =	vpop (erf)  }
0x92: {  	v6 =	vadd.f32 $-2.391897290e-01, v6;
	v14 =	vmul.f32 $-6.074752660e-03, v9  }
0x93: {  	v15 =	vand.u32 $0x7FFFFFFF, v4;
	v13 =	vadd.f32 $-4.998010990e-01, v13;
	v10 =	vmul.f32 v10, v7  }
0x94: {  	v16 =	vmul.f32 v6, v8;
	v15 =	vsub.f32 $0.0e+00, v15;
	v14 =	vadd.f32 $3.441791240e-02, v14  }
0x95: {  	s31 =	simm.s32 $0x60;
	v13 =	vmul.f32 v13, v12;
	v10 =	vadd.f32 $1.647818830e-01, v10  }
0x96: {  	v6 =	vld [tilespmem:s31+$0x0];
	v16 =	vadd.f32 $3.313336670e-01, v16;
	v15 =	vmul.f32 $1.442695020e+00, v15;
	v14 =	vmul.f32 v14, v9  }
0x97: {  	v13 =	vadd.f32 $9.999914760e-01, v13;
	v17 =	vmul.f32 v10, v7  }
0x98: {  	v16 =	vmul.f32 v16, v8;
	(erf) = vpow2.f32 v15;
	v14 =	vadd.f32 $-9.231230610e-02, v14  }
0x99: {  	v18 =	vmul.f32 v13, v12;
	v13 =	vmax.f32 v11, $0.0e+00;
	v10 =	vpop (erf);
	v17 =	vadd.f32 $-2.391897290e-01, v17  }
0x9a: {  	v11 =	vld [tilespmem:$0x6D80];
	v19 =	vmul.f32 $-6.074752660e-03, v10;
	v15 =	vmul.f32 v14, v9;
	v14 =	vadd.f32 $-4.998010990e-01, v16  }
0x9b: {  	v20 =	vand.u32 $0x7FFFFFFF, v6;
	v12 =	vmul.f32 v17, v7;
	v16 =	vadd.f32 $9.099033340e-08, v18  }
0x9c: {  	s14 =	simm.s32 $0x1C0;
	v18 =	vsub.f32 $0.0e+00, v20;
	v17 =	vadd.f32 $3.441791240e-02, v19;
	v14 =	vmul.f32 v14, v8  }
.LBB2_4:
0x9d: {  	s15 =	sshra.s32 s14, $0x2;
	p0 =	sne.s32 s14, $0x1B540;
	s14 =	sadd.s32 $0x40, s14;
	v15 =	vadd.f32 $1.647818830e-01, v15;
	v13 =	vadd.f32 v16, v13;
	v16 =	vmovc v8;
	v8 =	vmovc v7;
	v7 =	vmov v9  }
0x9e: {  	v12 =	vadd.f32 $3.313336670e-01, v12;
	v9 =	vmovc v10;
	v19 =	vld [tilespmem:s15+$0x0];
	v18 =	vmul.f32 $1.442695020e+00, v18;
	v17 =	vmul.f32 v17, v10  }
0x9f: {  	v14 =	vadd.f32 $9.999914760e-01, v14;
	v15 =	vmul.f32 v15, v7;
	v11 =	vadd.f32 v13, v11  }
.Ltmp1:
0xa0: {  	v12 =	vmul.f32 v12, v8;
	(erf) = vpow2.f32 v18;
	v17 =	vadd.f32 $-9.231230610e-02, v17;
	(pc) =	sbr.rel @p0 .LBB2_4-.Ltmp1, $4  }
0xa1: {  	v13 =	vmax.f32 v5, $0.0e+00;
	v14 =	vmul.f32 v14, v16;
	v10 =	vpop (erf);
	v18 =	vadd.f32 $-2.391897290e-01, v15  }
0xa2: {  	v5 =	vmovc v1;
	v1 =	vmovc v2;
	v21 =	vadd.f32 $-4.998010990e-01, v12;
	v20 =	vmul.f32 $-6.074752660e-03, v10;
	v15 =	vmul.f32 v17, v9  }
0xa3: {  	v2 =	vmovc v3;
	v3 =	vmovc v4;
	v16 =	vadd.f32 $9.099033340e-08, v14;
	v17 =	vand.u32 $0x7FFFFFFF, v19;
	v12 =	vmul.f32 v18, v7  }
0xa4: {  	v4 =	vmovc v6;
	v14 =	vmul.f32 v21, v8;
	v6 =	vmovc v19;
	v18 =	vsub.f32 $0.0e+00, v17;
	v17 =	vadd.f32 $3.441791240e-02, v20  }
0xa5: {  	_ = 	snop  }
0xa6: {  	v18 =	vmul.f32 $1.442695020e+00, v18;
	_ =	sdelay $0x1  }
0xa7: {  	(erf) = vpow2.f32 v18;
	_ =	sdelay $0x6  }
0xa8: {  	v18 =	vpop (erf)  }
0xa9: {  	v19 =	vmul.f32 $-6.074752660e-03, v18  }
0xaa: {  	v17 =	vmul.f32 v17, v10;
	v20 =	vpop (erf)  }
0xab: {  	v19 =	vadd.f32 $3.441791240e-02, v19;
	v21 =	vmul.f32 $-6.074752660e-03, v20  }
0xac: {  	v17 =	vadd.f32 $-9.231230610e-02, v17  }
0xad: {  	v19 =	vmul.f32 v19, v18;
	v21 =	vadd.f32 $3.441791240e-02, v21  }
0xae: {  	v15 =	vadd.f32 $1.647818830e-01, v15;
	v17 =	vmul.f32 v17, v10  }
0xaf: {  	v13 =	vadd.f32 v16, v13;
	v16 =	vadd.f32 $-9.231230610e-02, v19;
	v19 =	vmul.f32 v21, v20  }
0xb0: {  	v15 =	vmul.f32 v15, v9;
	v17 =	vadd.f32 $1.647818830e-01, v17  }
0xb1: {  	v11 =	vadd.f32 v13, v11;
	v13 =	vmul.f32 v16, v18;
	v16 =	vadd.f32 $-9.231230610e-02, v19  }
0xb2: {  	v12 =	vadd.f32 $3.313336670e-01, v12;
	v15 =	vadd.f32 $-2.391897290e-01, v15;
	v17 =	vmul.f32 v17, v10  }
0xb3: {  	v14 =	vadd.f32 $9.999914760e-01, v14;
	v13 =	vadd.f32 $1.647818830e-01, v13;
	v16 =	vmul.f32 v16, v20  }
0xb4: {  	v12 =	vmul.f32 v12, v7;
	v15 =	vmul.f32 v15, v9;
	v17 =	vadd.f32 $-2.391897290e-01, v17  }
0xb5: {  	v8 =	vmul.f32 v14, v8;
	v13 =	vmul.f32 v13, v18;
	v14 =	vadd.f32 $1.647818830e-01, v16  }
0xb6: {  	v12 =	vadd.f32 $-4.998010990e-01, v12;
	v15 =	vadd.f32 $3.313336670e-01, v15;
	v16 =	vmul.f32 v17, v10  }
0xb7: {  	v5 =	vmax.f32 v5, $0.0e+00;
	v13 =	vadd.f32 $-2.391897290e-01, v13;
	v14 =	vmul.f32 v14, v20  }
0xb8: {  	v12 =	vmul.f32 v12, v7;
	v15 =	vmul.f32 v15, v9;
	v16 =	vadd.f32 $3.313336670e-01, v16  }
0xb9: {  	v8 =	vadd.f32 $9.099033340e-08, v8;
	v13 =	vmul.f32 v13, v18;
	v14 =	vadd.f32 $-2.391897290e-01, v14  }
0xba: {  	v12 =	vadd.f32 $9.999914760e-01, v12;
	v15 =	vadd.f32 $-4.998010990e-01, v15;
	v16 =	vmul.f32 v16, v10  }
0xbb: {  	v5 =	vadd.f32 v8, v5;
	v8 =	vadd.f32 $3.313336670e-01, v13;
	v13 =	vmul.f32 v14, v20  }
0xbc: {  	v7 =	vmul.f32 v12, v7;
	v12 =	vmul.f32 v15, v9;
	v14 =	vadd.f32 $-4.998010990e-01, v16  }
0xbd: {  	v5 =	vadd.f32 v5, v11;
	v8 =	vmul.f32 v8, v18;
	v11 =	vadd.f32 $3.313336670e-01, v13  }
0xbe: {  	v7 =	vadd.f32 $9.099033340e-08, v7;
	v12 =	vadd.f32 $9.999914760e-01, v12;
	v13 =	vmul.f32 v14, v10  }
0xbf: {  	v1 =	vmax.f32 v1, $0.0e+00;
	v8 =	vadd.f32 $-4.998010990e-01, v8;
	v11 =	vmul.f32 v11, v20  }
0xc0: {  	v1 =	vadd.f32 v7, v1;
	v7 =	vmul.f32 v12, v9;
	v9 =	vadd.f32 $9.999914760e-01, v13  }
0xc1: {  	v8 =	vmul.f32 v8, v18;
	v11 =	vadd.f32 $-4.998010990e-01, v11  }
0xc2: {  	v1 =	vadd.f32 v1, v5;
	v5 =	vadd.f32 $9.099033340e-08, v7;
	v7 =	vmul.f32 v9, v10  }
0xc3: {  	v2 =	vmax.f32 v2, $0.0e+00;
	v8 =	vadd.f32 $9.999914760e-01, v8;
	v9 =	vmul.f32 v11, v20  }
0xc4: {  	v2 =	vadd.f32 v5, v2;
	v5 =	vadd.f32 $9.099033340e-08, v7  }
0xc5: {  	v3 =	vmax.f32 v3, $0.0e+00;
	v7 =	vmul.f32 v8, v18;
	v8 =	vadd.f32 $9.999914760e-01, v9  }
0xc6: {  	v1 =	vadd.f32 v2, v1;
	v2 =	vadd.f32 v5, v3  }
0xc7: {  	v3 =	vadd.f32 $9.099033340e-08, v7;
	v5 =	vmul.f32 v8, v20  }
0xc8: {  	v1 =	vadd.f32 v2, v1;
	v2 =	vmax.f32 v4, $0.0e+00  }
0xc9: {  	v2 =	vadd.f32 v3, v2;
	v3 =	vadd.f32 $9.099033340e-08, v5  }
0xca: {  	v4 =	vmax.f32 v6, $0.0e+00  }
0xcb: {  	v1 =	vadd.f32 v2, v1;
	v2 =	vadd.f32 v3, v4;
	_ =	sdelay $0x1  }
0xcc: {  	v1 =	vadd.f32 v2, v1;
	_ =	sdelay $0x1  }
0xcd: {  	s14 =	simm.s32 $0x0;
	[tilespmem:$0x6D80] =	vst v1  }
0xce: {  	[tilespmem:s14], [sflag:$0x1] =	stream.linear.gather [hbm4b:s5+s14], $0x6D60, $0x38;
	[tilespmem:$0x6E00] =	vst v63  }
0xcf: {  	_ =	swait.ge [sflag:s11], $0x6D60  }
0xd0: {  	[sflag:s11] =	ssyncset.done $0x0  }
0xd1: {  	s24 =	simm.s32 $0x0;
	[sflag:s11] =	ssyncadd.s32 $0xFFFF92A0  }
0xd2: {  	v11 =	vld [tilespmem:s24+$0x0];
	_ =	sdelay $0x4  }
0xd3: {  	v1 =	vand.u32 $0x7FFFFFFF, v11  }
0xd4: {  	v1 =	vsub.f32 $0.0e+00, v1;
	_ =	sdelay $0x1  }
0xd5: {  	s25 =	simm.s32 $0x10;
	v1 =	vmul.f32 $1.442695020e+00, v1  }
0xd6: {  	v5 =	vld [tilespmem:s25+$0x0]  }
0xd7: {  	(erf) = vpow2.f32 v1;
	_ =	sdelay $0x3  }
0xd8: {  	s26 =	simm.s32 $0x20;
	v1 =	vand.u32 $0x7FFFFFFF, v5  }
0xd9: {  	v2 =	vsub.f32 $0.0e+00, v1;
	v1 =	vld [tilespmem:s26+$0x0];
	_ =	sdelay $0x2  }
0xda: {  	v2 =	vmul.f32 $1.442695020e+00, v2  }
0xdb: {  	v12 =	vpop (erf)  }
0xdc: {  	(erf) = vpow2.f32 v2;
	v2 =	vand.u32 $0x7FFFFFFF, v1;
	v3 =	vmul.f32 $-6.074752660e-03, v12  }
0xdd: {  	v4 =	vsub.f32 $0.0e+00, v2  }
0xde: {  	s28 =	simm.s32 $0x30;
	v3 =	vadd.f32 $3.441791240e-02, v3  }
0xdf: {  	v2 =	vld [tilespmem:s28+$0x0];
	v4 =	vmul.f32 $1.442695020e+00, v4  }
0xe0: {  	v3 =	vmul.f32 v3, v12  }
0xe1: {  	(erf) = vpow2.f32 v4  }
0xe2: {  	v3 =	vadd.f32 $-9.231230610e-02, v3;
	_ =	sdelay $0x1  }
0xe3: {  	v4 =	vand.u32 $0x7FFFFFFF, v2;
	v7 =	vmul.f32 v3, v12  }
0xe4: {  	v4 =	vsub.f32 $0.0e+00, v4;
	v8 =	vpop (erf)  }
0xe5: {  	v6 =	vmul.f32 $-6.074752660e-03, v8;
	v7 =	vadd.f32 $1.647818830e-01, v7  }
0xe6: {  	s29 =	simm.s32 $0x40;
	v4 =	vmul.f32 $1.442695020e+00, v4  }
0xe7: {  	v6 =	vadd.f32 $3.441791240e-02, v6;
	v3 =	vld [tilespmem:s29+$0x0]  }
0xe8: {  	(erf) = vpow2.f32 v4  }
0xe9: {  	v6 =	vmul.f32 v6, v8;
	v4 =	vmul.f32 v7, v12;
	v7 =	vpop (erf)  }
0xea: {  	v9 =	vmul.f32 $-6.074752660e-03, v7  }
0xeb: {  	v6 =	vadd.f32 $-9.231230610e-02, v6  }
0xec: {  	v10 =	vand.u32 $0x7FFFFFFF, v3;
	v4 =	vadd.f32 $-2.391897290e-01, v4;
	v9 =	vadd.f32 $3.441791240e-02, v9  }
0xed: {  	v6 =	vmul.f32 v6, v8;
	v10 =	vsub.f32 $0.0e+00, v10  }
0xee: {  	s30 =	simm.s32 $0x50;
	v13 =	vmul.f32 v4, v12;
	v9 =	vmul.f32 v9, v7  }
0xef: {  	v6 =	vadd.f32 $1.647818830e-01, v6;
	v4 =	vld [tilespmem:s30+$0x0];
	v10 =	vmul.f32 $1.442695020e+00, v10  }
0xf0: {  	v13 =	vadd.f32 $3.313336670e-01, v13  }
0xf1: {  	v6 =	vmul.f32 v6, v8;
	(erf) = vpow2.f32 v10  }
0xf2: {  	v13 =	vmul.f32 v13, v12;
	v10 =	vadd.f32 $-9.231230610e-02, v9;
	v9 =	vpop (erf)  }
0xf3: {  	v6 =	vadd.f32 $-2.391897290e-01, v6;
	v14 =	vmul.f32 $-6.074752660e-03, v9  }
0xf4: {  	v15 =	vand.u32 $0x7FFFFFFF, v4;
	v13 =	vadd.f32 $-4.998010990e-01, v13;
	v10 =	vmul.f32 v10, v7  }
0xf5: {  	v16 =	vmul.f32 v6, v8;
	v15 =	vsub.f32 $0.0e+00, v15;
	v14 =	vadd.f32 $3.441791240e-02, v14  }
0xf6: {  	s31 =	simm.s32 $0x60;
	v13 =	vmul.f32 v13, v12;
	v10 =	vadd.f32 $1.647818830e-01, v10  }
0xf7: {  	v6 =	vld [tilespmem:s31+$0x0];
	v16 =	vadd.f32 $3.313336670e-01, v16;
	v15 =	vmul.f32 $1.442695020e+00, v15;
	v14 =	vmul.f32 v14, v9  }
0xf8: {  	v13 =	vadd.f32 $9.999914760e-01, v13;
	v17 =	vmul.f32 v10, v7  }
0xf9: {  	v16 =	vmul.f32 v16, v8;
	(erf) = vpow2.f32 v15;
	v14 =	vadd.f32 $-9.231230610e-02, v14  }
0xfa: {  	v18 =	vmul.f32 v13, v12;
	v13 =	vmax.f32 v11, $0.0e+00;
	v10 =	vpop (erf);
	v17 =	vadd.f32 $-2.391897290e-01, v17  }
0xfb: {  	v11 =	vld [tilespmem:$0x6D80];
	v19 =	vmul.f32 $-6.074752660e-03, v10;
	v15 =	vmul.f32 v14, v9;
	v14 =	vadd.f32 $-4.998010990e-01, v16  }
0xfc: {  	v20 =	vand.u32 $0x7FFFFFFF, v6;
	v12 =	vmul.f32 v17, v7;
	v16 =	vadd.f32 $9.099033340e-08, v18  }
0xfd: {  	s14 =	simm.s32 $0x1C0;
	v18 =	vsub.f32 $0.0e+00, v20;
	v17 =	vadd.f32 $3.441791240e-02, v19;
	v14 =	vmul.f32 v14, v8  }
.LBB2_6:
0xfe: {  	s15 =	sshra.s32 s14, $0x2;
	p0 =	sne.s32 s14, $0x1B540;
	s14 =	sadd.s32 $0x40, s14;
	v15 =	vadd.f32 $1.647818830e-01, v15;
	v13 =	vadd.f32 v16, v13;
	v16 =	vmovc v8;
	v8 =	vmovc v7;
	v7 =	vmov v9  }
0xff: {  	v12 =	vadd.f32 $3.313336670e-01, v12;
	v9 =	vmovc v10;
	v19 =	vld [tilespmem:s15+$0x0];
	v18 =	vmul.f32 $1.442695020e+00, v18;
	v17 =	vmul.f32 v17, v10  }
0x100: {  	v14 =	vadd.f32 $9.999914760e-01, v14;
	v15 =	vmul.f32 v15, v7;
	v11 =	vadd.f32 v13, v11  }
.Ltmp2:
0x101: {  	v12 =	vmul.f32 v12, v8;
	(erf) = vpow2.f32 v18;
	v17 =	vadd.f32 $-9.231230610e-02, v17;
	(pc) =	sbr.rel @p0 .LBB2_6-.Ltmp2, $4  }
0x102: {  	v13 =	vmax.f32 v5, $0.0e+00;
	v14 =	vmul.f32 v14, v16;
	v10 =	vpop (erf);
	v18 =	vadd.f32 $-2.391897290e-01, v15  }
0x103: {  	v5 =	vmovc v1;
	v1 =	vmovc v2;
	v21 =	vadd.f32 $-4.998010990e-01, v12;
	v20 =	vmul.f32 $-6.074752660e-03, v10;
	v15 =	vmul.f32 v17, v9  }
0x104: {  	v2 =	vmovc v3;
	v3 =	vmovc v4;
	v16 =	vadd.f32 $9.099033340e-08, v14;
	v17 =	vand.u32 $0x7FFFFFFF, v19;
	v12 =	vmul.f32 v18, v7  }
0x105: {  	v4 =	vmovc v6;
	v14 =	vmul.f32 v21, v8;
	v6 =	vmovc v19;
	v18 =	vsub.f32 $0.0e+00, v17;
	v17 =	vadd.f32 $3.441791240e-02, v20  }
0x106: {  	_ = 	snop  }
0x107: {  	v18 =	vmul.f32 $1.442695020e+00, v18;
	_ =	sdelay $0x1  }
0x108: {  	(erf) = vpow2.f32 v18;
	_ =	sdelay $0x6  }
0x109: {  	v18 =	vpop (erf)  }
0x10a: {  	v19 =	vmul.f32 $-6.074752660e-03, v18  }
0x10b: {  	v17 =	vmul.f32 v17, v10;
	v20 =	vpop (erf)  }
0x10c: {  	v19 =	vadd.f32 $3.441791240e-02, v19;
	v21 =	vmul.f32 $-6.074752660e-03, v20  }
0x10d: {  	v17 =	vadd.f32 $-9.231230610e-02, v17  }
0x10e: {  	v19 =	vmul.f32 v19, v18;
	v21 =	vadd.f32 $3.441791240e-02, v21  }
0x10f: {  	v15 =	vadd.f32 $1.647818830e-01, v15;
	v17 =	vmul.f32 v17, v10  }
0x110: {  	v13 =	vadd.f32 v16, v13;
	v16 =	vadd.f32 $-9.231230610e-02, v19;
	v19 =	vmul.f32 v21, v20  }
0x111: {  	v15 =	vmul.f32 v15, v9;
	v17 =	vadd.f32 $1.647818830e-01, v17  }
0x112: {  	v11 =	vadd.f32 v13, v11;
	v13 =	vmul.f32 v16, v18;
	v16 =	vadd.f32 $-9.231230610e-02, v19  }
0x113: {  	v12 =	vadd.f32 $3.313336670e-01, v12;
	v15 =	vadd.f32 $-2.391897290e-01, v15;
	v17 =	vmul.f32 v17, v10  }
0x114: {  	v14 =	vadd.f32 $9.999914760e-01, v14;
	v13 =	vadd.f32 $1.647818830e-01, v13;
	v16 =	vmul.f32 v16, v20  }
0x115: {  	v12 =	vmul.f32 v12, v7;
	v15 =	vmul.f32 v15, v9;
	v17 =	vadd.f32 $-2.391897290e-01, v17  }
0x116: {  	v8 =	vmul.f32 v14, v8;
	v13 =	vmul.f32 v13, v18;
	v14 =	vadd.f32 $1.647818830e-01, v16  }
0x117: {  	v12 =	vadd.f32 $-4.998010990e-01, v12;
	v15 =	vadd.f32 $3.313336670e-01, v15;
	v16 =	vmul.f32 v17, v10  }
0x118: {  	v5 =	vmax.f32 v5, $0.0e+00;
	v13 =	vadd.f32 $-2.391897290e-01, v13;
	v14 =	vmul.f32 v14, v20  }
0x119: {  	v12 =	vmul.f32 v12, v7;
	v15 =	vmul.f32 v15, v9;
	v16 =	vadd.f32 $3.313336670e-01, v16  }
0x11a: {  	v8 =	vadd.f32 $9.099033340e-08, v8;
	v13 =	vmul.f32 v13, v18;
	v14 =	vadd.f32 $-2.391897290e-01, v14  }
0x11b: {  	v12 =	vadd.f32 $9.999914760e-01, v12;
	v15 =	vadd.f32 $-4.998010990e-01, v15;
	v16 =	vmul.f32 v16, v10  }
0x11c: {  	v5 =	vadd.f32 v8, v5;
	v8 =	vadd.f32 $3.313336670e-01, v13;
	v13 =	vmul.f32 v14, v20  }
0x11d: {  	v7 =	vmul.f32 v12, v7;
	v12 =	vmul.f32 v15, v9;
	v14 =	vadd.f32 $-4.998010990e-01, v16  }
0x11e: {  	v5 =	vadd.f32 v5, v11;
	v8 =	vmul.f32 v8, v18;
	v11 =	vadd.f32 $3.313336670e-01, v13  }
0x11f: {  	v7 =	vadd.f32 $9.099033340e-08, v7;
	v12 =	vadd.f32 $9.999914760e-01, v12;
	v13 =	vmul.f32 v14, v10  }
0x120: {  	v1 =	vmax.f32 v1, $0.0e+00;
	v8 =	vadd.f32 $-4.998010990e-01, v8;
	v11 =	vmul.f32 v11, v20  }
0x121: {  	v1 =	vadd.f32 v7, v1;
	v7 =	vmul.f32 v12, v9;
	v9 =	vadd.f32 $9.999914760e-01, v13  }
0x122: {  	v8 =	vmul.f32 v8, v18;
	v11 =	vadd.f32 $-4.998010990e-01, v11  }
0x123: {  	v1 =	vadd.f32 v1, v5;
	v5 =	vadd.f32 $9.099033340e-08, v7;
	v7 =	vmul.f32 v9, v10  }
0x124: {  	v2 =	vmax.f32 v2, $0.0e+00;
	v8 =	vadd.f32 $9.999914760e-01, v8;
	v9 =	vmul.f32 v11, v20  }
0x125: {  	v2 =	vadd.f32 v5, v2;
	v5 =	vadd.f32 $9.099033340e-08, v7  }
0x126: {  	v3 =	vmax.f32 v3, $0.0e+00;
	v7 =	vmul.f32 v8, v18;
	v8 =	vadd.f32 $9.999914760e-01, v9  }
0x127: {  	v1 =	vadd.f32 v2, v1;
	v2 =	vadd.f32 v5, v3  }
0x128: {  	v3 =	vadd.f32 $9.099033340e-08, v7;
	v5 =	vmul.f32 v8, v20  }
0x129: {  	v1 =	vadd.f32 v2, v1;
	v2 =	vmax.f32 v4, $0.0e+00  }
0x12a: {  	v2 =	vadd.f32 v3, v2;
	v3 =	vadd.f32 $9.099033340e-08, v5  }
0x12b: {  	v4 =	vmax.f32 v6, $0.0e+00  }
0x12c: {  	v1 =	vadd.f32 v2, v1;
	v2 =	vadd.f32 v3, v4;
	_ =	sdelay $0x1  }
0x12d: {  	v1 =	vadd.f32 v2, v1;
	_ =	sdelay $0x1  }
0x12e: {  	s14 =	simm.s32 $0x0;
	[tilespmem:$0x6D80] =	vst v1  }
0x12f: {  	[tilespmem:s14], [sflag:$0x1] =	stream.linear.gather [hbm4b:s6+s14], $0x6D60, $0x38;
	[tilespmem:$0x6E00] =	vst v63  }
0x130: {  	_ =	swait.ge [sflag:s11], $0x6D60  }
0x131: {  	[sflag:s11] =	ssyncset.done $0x0  }
0x132: {  	s24 =	simm.s32 $0x0;
	[sflag:s11] =	ssyncadd.s32 $0xFFFF92A0  }
0x133: {  	v11 =	vld [tilespmem:s24+$0x0];
	_ =	sdelay $0x4  }
0x134: {  	v1 =	vand.u32 $0x7FFFFFFF, v11  }
0x135: {  	v1 =	vsub.f32 $0.0e+00, v1;
	_ =	sdelay $0x1  }
0x136: {  	s25 =	simm.s32 $0x10;
	v1 =	vmul.f32 $1.442695020e+00, v1  }
0x137: {  	v5 =	vld [tilespmem:s25+$0x0]  }
0x138: {  	(erf) = vpow2.f32 v1;
	_ =	sdelay $0x3  }
0x139: {  	s26 =	simm.s32 $0x20;
	v1 =	vand.u32 $0x7FFFFFFF, v5  }
0x13a: {  	v2 =	vsub.f32 $0.0e+00, v1;
	v1 =	vld [tilespmem:s26+$0x0];
	_ =	sdelay $0x2  }
0x13b: {  	v2 =	vmul.f32 $1.442695020e+00, v2  }
0x13c: {  	v12 =	vpop (erf)  }
0x13d: {  	(erf) = vpow2.f32 v2;
	v2 =	vand.u32 $0x7FFFFFFF, v1;
	v3 =	vmul.f32 $-6.074752660e-03, v12  }
0x13e: {  	v4 =	vsub.f32 $0.0e+00, v2  }
0x13f: {  	s28 =	simm.s32 $0x30;
	v3 =	vadd.f32 $3.441791240e-02, v3  }
0x140: {  	v2 =	vld [tilespmem:s28+$0x0];
	v4 =	vmul.f32 $1.442695020e+00, v4  }
0x141: {  	v3 =	vmul.f32 v3, v12  }
0x142: {  	(erf) = vpow2.f32 v4  }
0x143: {  	v3 =	vadd.f32 $-9.231230610e-02, v3;
	_ =	sdelay $0x1  }
0x144: {  	v4 =	vand.u32 $0x7FFFFFFF, v2;
	v7 =	vmul.f32 v3, v12  }
0x145: {  	v4 =	vsub.f32 $0.0e+00, v4;
	v8 =	vpop (erf)  }
0x146: {  	v6 =	vmul.f32 $-6.074752660e-03, v8;
	v7 =	vadd.f32 $1.647818830e-01, v7  }
0x147: {  	s29 =	simm.s32 $0x40;
	v4 =	vmul.f32 $1.442695020e+00, v4  }
0x148: {  	v6 =	vadd.f32 $3.441791240e-02, v6;
	v3 =	vld [tilespmem:s29+$0x0]  }
0x149: {  	(erf) = vpow2.f32 v4  }
0x14a: {  	v6 =	vmul.f32 v6, v8;
	v4 =	vmul.f32 v7, v12;
	v7 =	vpop (erf)  }
0x14b: {  	v9 =	vmul.f32 $-6.074752660e-03, v7  }
0x14c: {  	v6 =	vadd.f32 $-9.231230610e-02, v6  }
0x14d: {  	v10 =	vand.u32 $0x7FFFFFFF, v3;
	v4 =	vadd.f32 $-2.391897290e-01, v4;
	v9 =	vadd.f32 $3.441791240e-02, v9  }
0x14e: {  	v6 =	vmul.f32 v6, v8;
	v10 =	vsub.f32 $0.0e+00, v10  }
0x14f: {  	s30 =	simm.s32 $0x50;
	v13 =	vmul.f32 v4, v12;
	v9 =	vmul.f32 v9, v7  }
0x150: {  	v6 =	vadd.f32 $1.647818830e-01, v6;
	v4 =	vld [tilespmem:s30+$0x0];
	v10 =	vmul.f32 $1.442695020e+00, v10  }
0x151: {  	v13 =	vadd.f32 $3.313336670e-01, v13  }
0x152: {  	v6 =	vmul.f32 v6, v8;
	(erf) = vpow2.f32 v10  }
0x153: {  	v13 =	vmul.f32 v13, v12;
	v10 =	vadd.f32 $-9.231230610e-02, v9;
	v9 =	vpop (erf)  }
0x154: {  	v6 =	vadd.f32 $-2.391897290e-01, v6;
	v14 =	vmul.f32 $-6.074752660e-03, v9  }
0x155: {  	v15 =	vand.u32 $0x7FFFFFFF, v4;
	v13 =	vadd.f32 $-4.998010990e-01, v13;
	v10 =	vmul.f32 v10, v7  }
0x156: {  	v16 =	vmul.f32 v6, v8;
	v15 =	vsub.f32 $0.0e+00, v15;
	v14 =	vadd.f32 $3.441791240e-02, v14  }
0x157: {  	s31 =	simm.s32 $0x60;
	v13 =	vmul.f32 v13, v12;
	v10 =	vadd.f32 $1.647818830e-01, v10  }
0x158: {  	v6 =	vld [tilespmem:s31+$0x0];
	v16 =	vadd.f32 $3.313336670e-01, v16;
	v15 =	vmul.f32 $1.442695020e+00, v15;
	v14 =	vmul.f32 v14, v9  }
0x159: {  	v13 =	vadd.f32 $9.999914760e-01, v13;
	v17 =	vmul.f32 v10, v7  }
0x15a: {  	v16 =	vmul.f32 v16, v8;
	(erf) = vpow2.f32 v15;
	v14 =	vadd.f32 $-9.231230610e-02, v14  }
0x15b: {  	v18 =	vmul.f32 v13, v12;
	v13 =	vmax.f32 v11, $0.0e+00;
	v10 =	vpop (erf);
	v17 =	vadd.f32 $-2.391897290e-01, v17  }
0x15c: {  	v11 =	vld [tilespmem:$0x6D80];
	v19 =	vmul.f32 $-6.074752660e-03, v10;
	v15 =	vmul.f32 v14, v9;
	v14 =	vadd.f32 $-4.998010990e-01, v16  }
0x15d: {  	v20 =	vand.u32 $0x7FFFFFFF, v6;
	v12 =	vmul.f32 v17, v7;
	v16 =	vadd.f32 $9.099033340e-08, v18  }
0x15e: {  	s14 =	simm.s32 $0x1C0;
	v18 =	vsub.f32 $0.0e+00, v20;
	v17 =	vadd.f32 $3.441791240e-02, v19;
	v14 =	vmul.f32 v14, v8  }
.LBB2_8:
0x15f: {  	s15 =	sshra.s32 s14, $0x2;
	p0 =	sne.s32 s14, $0x1B540;
	s14 =	sadd.s32 $0x40, s14;
	v15 =	vadd.f32 $1.647818830e-01, v15;
	v13 =	vadd.f32 v16, v13;
	v16 =	vmovc v8;
	v8 =	vmovc v7;
	v7 =	vmov v9  }
0x160: {  	v12 =	vadd.f32 $3.313336670e-01, v12;
	v9 =	vmovc v10;
	v19 =	vld [tilespmem:s15+$0x0];
	v18 =	vmul.f32 $1.442695020e+00, v18;
	v17 =	vmul.f32 v17, v10  }
0x161: {  	v14 =	vadd.f32 $9.999914760e-01, v14;
	v15 =	vmul.f32 v15, v7;
	v11 =	vadd.f32 v13, v11  }
.Ltmp3:
0x162: {  	v12 =	vmul.f32 v12, v8;
	(erf) = vpow2.f32 v18;
	v17 =	vadd.f32 $-9.231230610e-02, v17;
	(pc) =	sbr.rel @p0 .LBB2_8-.Ltmp3, $4  }
0x163: {  	v13 =	vmax.f32 v5, $0.0e+00;
	v14 =	vmul.f32 v14, v16;
	v10 =	vpop (erf);
	v18 =	vadd.f32 $-2.391897290e-01, v15  }
0x164: {  	v5 =	vmovc v1;
	v1 =	vmovc v2;
	v21 =	vadd.f32 $-4.998010990e-01, v12;
	v20 =	vmul.f32 $-6.074752660e-03, v10;
	v15 =	vmul.f32 v17, v9  }
0x165: {  	v2 =	vmovc v3;
	v3 =	vmovc v4;
	v16 =	vadd.f32 $9.099033340e-08, v14;
	v17 =	vand.u32 $0x7FFFFFFF, v19;
	v12 =	vmul.f32 v18, v7  }
0x166: {  	v4 =	vmovc v6;
	v14 =	vmul.f32 v21, v8;
	v6 =	vmovc v19;
	v18 =	vsub.f32 $0.0e+00, v17;
	v17 =	vadd.f32 $3.441791240e-02, v20  }
0x167: {  	_ = 	snop  }
0x168: {  	v18 =	vmul.f32 $1.442695020e+00, v18;
	_ =	sdelay $0x1  }
0x169: {  	(erf) = vpow2.f32 v18;
	_ =	sdelay $0x6  }
0x16a: {  	v18 =	vpop (erf)  }
0x16b: {  	v19 =	vmul.f32 $-6.074752660e-03, v18  }
0x16c: {  	v17 =	vmul.f32 v17, v10;
	v20 =	vpop (erf)  }
0x16d: {  	v19 =	vadd.f32 $3.441791240e-02, v19;
	v21 =	vmul.f32 $-6.074752660e-03, v20  }
0x16e: {  	v17 =	vadd.f32 $-9.231230610e-02, v17  }
0x16f: {  	v19 =	vmul.f32 v19, v18;
	v21 =	vadd.f32 $3.441791240e-02, v21  }
0x170: {  	v15 =	vadd.f32 $1.647818830e-01, v15;
	v17 =	vmul.f32 v17, v10  }
0x171: {  	v13 =	vadd.f32 v16, v13;
	v16 =	vadd.f32 $-9.231230610e-02, v19;
	v19 =	vmul.f32 v21, v20  }
0x172: {  	v15 =	vmul.f32 v15, v9;
	v17 =	vadd.f32 $1.647818830e-01, v17  }
0x173: {  	v11 =	vadd.f32 v13, v11;
	v13 =	vmul.f32 v16, v18;
	v16 =	vadd.f32 $-9.231230610e-02, v19  }
0x174: {  	v12 =	vadd.f32 $3.313336670e-01, v12;
	v15 =	vadd.f32 $-2.391897290e-01, v15;
	v17 =	vmul.f32 v17, v10  }
0x175: {  	v14 =	vadd.f32 $9.999914760e-01, v14;
	v13 =	vadd.f32 $1.647818830e-01, v13;
	v16 =	vmul.f32 v16, v20  }
0x176: {  	v12 =	vmul.f32 v12, v7;
	v15 =	vmul.f32 v15, v9;
	v17 =	vadd.f32 $-2.391897290e-01, v17  }
0x177: {  	v8 =	vmul.f32 v14, v8;
	v13 =	vmul.f32 v13, v18;
	v14 =	vadd.f32 $1.647818830e-01, v16  }
0x178: {  	v12 =	vadd.f32 $-4.998010990e-01, v12;
	v15 =	vadd.f32 $3.313336670e-01, v15;
	v16 =	vmul.f32 v17, v10  }
0x179: {  	v5 =	vmax.f32 v5, $0.0e+00;
	v13 =	vadd.f32 $-2.391897290e-01, v13;
	v14 =	vmul.f32 v14, v20  }
0x17a: {  	v12 =	vmul.f32 v12, v7;
	v15 =	vmul.f32 v15, v9;
	v16 =	vadd.f32 $3.313336670e-01, v16  }
0x17b: {  	v8 =	vadd.f32 $9.099033340e-08, v8;
	v13 =	vmul.f32 v13, v18;
	v14 =	vadd.f32 $-2.391897290e-01, v14  }
0x17c: {  	v12 =	vadd.f32 $9.999914760e-01, v12;
	v15 =	vadd.f32 $-4.998010990e-01, v15;
	v16 =	vmul.f32 v16, v10  }
0x17d: {  	v5 =	vadd.f32 v8, v5;
	v8 =	vadd.f32 $3.313336670e-01, v13;
	v13 =	vmul.f32 v14, v20  }
0x17e: {  	v7 =	vmul.f32 v12, v7;
	v12 =	vmul.f32 v15, v9;
	v14 =	vadd.f32 $-4.998010990e-01, v16  }
0x17f: {  	v5 =	vadd.f32 v5, v11;
	v8 =	vmul.f32 v8, v18;
	v11 =	vadd.f32 $3.313336670e-01, v13  }
0x180: {  	v7 =	vadd.f32 $9.099033340e-08, v7;
	v12 =	vadd.f32 $9.999914760e-01, v12;
	v13 =	vmul.f32 v14, v10  }
0x181: {  	v1 =	vmax.f32 v1, $0.0e+00;
	v8 =	vadd.f32 $-4.998010990e-01, v8;
	v11 =	vmul.f32 v11, v20  }
0x182: {  	v1 =	vadd.f32 v7, v1;
	v7 =	vmul.f32 v12, v9;
	v9 =	vadd.f32 $9.999914760e-01, v13  }
0x183: {  	v8 =	vmul.f32 v8, v18;
	v11 =	vadd.f32 $-4.998010990e-01, v11  }
0x184: {  	v1 =	vadd.f32 v1, v5;
	v5 =	vadd.f32 $9.099033340e-08, v7;
	v7 =	vmul.f32 v9, v10  }
0x185: {  	v2 =	vmax.f32 v2, $0.0e+00;
	v8 =	vadd.f32 $9.999914760e-01, v8;
	v9 =	vmul.f32 v11, v20  }
0x186: {  	v2 =	vadd.f32 v5, v2;
	v5 =	vadd.f32 $9.099033340e-08, v7  }
0x187: {  	v3 =	vmax.f32 v3, $0.0e+00;
	v7 =	vmul.f32 v8, v18;
	v8 =	vadd.f32 $9.999914760e-01, v9  }
0x188: {  	v1 =	vadd.f32 v2, v1;
	v2 =	vadd.f32 v5, v3  }
0x189: {  	v3 =	vadd.f32 $9.099033340e-08, v7;
	v5 =	vmul.f32 v8, v20  }
0x18a: {  	v1 =	vadd.f32 v2, v1;
	v2 =	vmax.f32 v4, $0.0e+00  }
0x18b: {  	v2 =	vadd.f32 v3, v2;
	v3 =	vadd.f32 $9.099033340e-08, v5  }
0x18c: {  	v4 =	vmax.f32 v6, $0.0e+00  }
0x18d: {  	v1 =	vadd.f32 v2, v1;
	v2 =	vadd.f32 v3, v4;
	_ =	sdelay $0x1  }
0x18e: {  	v1 =	vadd.f32 v2, v1;
	_ =	sdelay $0x1  }
0x18f: {  	s14 =	simm.s32 $0x0;
	[tilespmem:$0x6D80] =	vst v1  }
0x190: {  	[tilespmem:s14], [sflag:$0x1] =	stream.linear.gather [hbm4b:s7+s14], $0x6D60, $0x38;
	[tilespmem:$0x6E00] =	vst v63  }
0x191: {  	_ =	swait.ge [sflag:s11], $0x6D60  }
0x192: {  	[sflag:s11] =	ssyncset.done $0x0  }
0x193: {  	s24 =	simm.s32 $0x0;
	[sflag:s11] =	ssyncadd.s32 $0xFFFF92A0  }
0x194: {  	v11 =	vld [tilespmem:s24+$0x0];
	_ =	sdelay $0x4  }
0x195: {  	v1 =	vand.u32 $0x7FFFFFFF, v11  }
0x196: {  	v1 =	vsub.f32 $0.0e+00, v1;
	_ =	sdelay $0x1  }
0x197: {  	s25 =	simm.s32 $0x10;
	v1 =	vmul.f32 $1.442695020e+00, v1  }
0x198: {  	v5 =	vld [tilespmem:s25+$0x0]  }
0x199: {  	(erf) = vpow2.f32 v1;
	_ =	sdelay $0x3  }
0x19a: {  	s26 =	simm.s32 $0x20;
	v1 =	vand.u32 $0x7FFFFFFF, v5  }
0x19b: {  	v2 =	vsub.f32 $0.0e+00, v1;
	v1 =	vld [tilespmem:s26+$0x0];
	_ =	sdelay $0x2  }
0x19c: {  	v2 =	vmul.f32 $1.442695020e+00, v2  }
0x19d: {  	v12 =	vpop (erf)  }
0x19e: {  	(erf) = vpow2.f32 v2;
	v2 =	vand.u32 $0x7FFFFFFF, v1;
	v3 =	vmul.f32 $-6.074752660e-03, v12  }
0x19f: {  	v4 =	vsub.f32 $0.0e+00, v2  }
0x1a0: {  	s28 =	simm.s32 $0x30;
	v3 =	vadd.f32 $3.441791240e-02, v3  }
0x1a1: {  	v2 =	vld [tilespmem:s28+$0x0];
	v4 =	vmul.f32 $1.442695020e+00, v4  }
0x1a2: {  	v3 =	vmul.f32 v3, v12  }
0x1a3: {  	(erf) = vpow2.f32 v4  }
0x1a4: {  	v3 =	vadd.f32 $-9.231230610e-02, v3;
	_ =	sdelay $0x1  }
0x1a5: {  	v4 =	vand.u32 $0x7FFFFFFF, v2;
	v7 =	vmul.f32 v3, v12  }
0x1a6: {  	v4 =	vsub.f32 $0.0e+00, v4;
	v8 =	vpop (erf)  }
0x1a7: {  	v6 =	vmul.f32 $-6.074752660e-03, v8;
	v7 =	vadd.f32 $1.647818830e-01, v7  }
0x1a8: {  	s29 =	simm.s32 $0x40;
	v4 =	vmul.f32 $1.442695020e+00, v4  }
0x1a9: {  	v6 =	vadd.f32 $3.441791240e-02, v6;
	v3 =	vld [tilespmem:s29+$0x0]  }
0x1aa: {  	(erf) = vpow2.f32 v4  }
0x1ab: {  	v6 =	vmul.f32 v6, v8;
	v4 =	vmul.f32 v7, v12;
	v7 =	vpop (erf)  }
0x1ac: {  	v9 =	vmul.f32 $-6.074752660e-03, v7  }
0x1ad: {  	v6 =	vadd.f32 $-9.231230610e-02, v6  }
0x1ae: {  	v10 =	vand.u32 $0x7FFFFFFF, v3;
	v4 =	vadd.f32 $-2.391897290e-01, v4;
	v9 =	vadd.f32 $3.441791240e-02, v9  }
0x1af: {  	v6 =	vmul.f32 v6, v8;
	v10 =	vsub.f32 $0.0e+00, v10  }
0x1b0: {  	s30 =	simm.s32 $0x50;
	v13 =	vmul.f32 v4, v12;
	v9 =	vmul.f32 v9, v7  }
0x1b1: {  	v6 =	vadd.f32 $1.647818830e-01, v6;
	v4 =	vld [tilespmem:s30+$0x0];
	v10 =	vmul.f32 $1.442695020e+00, v10  }
0x1b2: {  	v13 =	vadd.f32 $3.313336670e-01, v13  }
0x1b3: {  	v6 =	vmul.f32 v6, v8;
	(erf) = vpow2.f32 v10  }
0x1b4: {  	v13 =	vmul.f32 v13, v12;
	v10 =	vadd.f32 $-9.231230610e-02, v9;
	v9 =	vpop (erf)  }
0x1b5: {  	v6 =	vadd.f32 $-2.391897290e-01, v6;
	v14 =	vmul.f32 $-6.074752660e-03, v9  }
0x1b6: {  	v15 =	vand.u32 $0x7FFFFFFF, v4;
	v13 =	vadd.f32 $-4.998010990e-01, v13;
	v10 =	vmul.f32 v10, v7  }
0x1b7: {  	v16 =	vmul.f32 v6, v8;
	v15 =	vsub.f32 $0.0e+00, v15;
	v14 =	vadd.f32 $3.441791240e-02, v14  }
0x1b8: {  	s31 =	simm.s32 $0x60;
	v13 =	vmul.f32 v13, v12;
	v10 =	vadd.f32 $1.647818830e-01, v10  }
0x1b9: {  	v6 =	vld [tilespmem:s31+$0x0];
	v16 =	vadd.f32 $3.313336670e-01, v16;
	v15 =	vmul.f32 $1.442695020e+00, v15;
	v14 =	vmul.f32 v14, v9  }
0x1ba: {  	v13 =	vadd.f32 $9.999914760e-01, v13;
	v17 =	vmul.f32 v10, v7  }
0x1bb: {  	v16 =	vmul.f32 v16, v8;
	(erf) = vpow2.f32 v15;
	v14 =	vadd.f32 $-9.231230610e-02, v14  }
0x1bc: {  	v18 =	vmul.f32 v13, v12;
	v13 =	vmax.f32 v11, $0.0e+00;
	v10 =	vpop (erf);
	v17 =	vadd.f32 $-2.391897290e-01, v17  }
0x1bd: {  	v11 =	vld [tilespmem:$0x6D80];
	v19 =	vmul.f32 $-6.074752660e-03, v10;
	v15 =	vmul.f32 v14, v9;
	v14 =	vadd.f32 $-4.998010990e-01, v16  }
0x1be: {  	v20 =	vand.u32 $0x7FFFFFFF, v6;
	v12 =	vmul.f32 v17, v7;
	v16 =	vadd.f32 $9.099033340e-08, v18  }
0x1bf: {  	s14 =	simm.s32 $0x1C0;
	v18 =	vsub.f32 $0.0e+00, v20;
	v17 =	vadd.f32 $3.441791240e-02, v19;
	v14 =	vmul.f32 v14, v8  }
.LBB2_10:
0x1c0: {  	s15 =	sshra.s32 s14, $0x2;
	p0 =	sne.s32 s14, $0x1B540;
	s14 =	sadd.s32 $0x40, s14;
	v15 =	vadd.f32 $1.647818830e-01, v15;
	v13 =	vadd.f32 v16, v13;
	v16 =	vmovc v8;
	v8 =	vmovc v7;
	v7 =	vmov v9  }
0x1c1: {  	v12 =	vadd.f32 $3.313336670e-01, v12;
	v9 =	vmovc v10;
	v19 =	vld [tilespmem:s15+$0x0];
	v18 =	vmul.f32 $1.442695020e+00, v18;
	v17 =	vmul.f32 v17, v10  }
0x1c2: {  	v14 =	vadd.f32 $9.999914760e-01, v14;
	v15 =	vmul.f32 v15, v7;
	v11 =	vadd.f32 v13, v11  }
.Ltmp4:
0x1c3: {  	v12 =	vmul.f32 v12, v8;
	(erf) = vpow2.f32 v18;
	v17 =	vadd.f32 $-9.231230610e-02, v17;
	(pc) =	sbr.rel @p0 .LBB2_10-.Ltmp4, $4  }
0x1c4: {  	v13 =	vmax.f32 v5, $0.0e+00;
	v14 =	vmul.f32 v14, v16;
	v10 =	vpop (erf);
	v18 =	vadd.f32 $-2.391897290e-01, v15  }
0x1c5: {  	v5 =	vmovc v1;
	v1 =	vmovc v2;
	v21 =	vadd.f32 $-4.998010990e-01, v12;
	v20 =	vmul.f32 $-6.074752660e-03, v10;
	v15 =	vmul.f32 v17, v9  }
0x1c6: {  	v2 =	vmovc v3;
	v3 =	vmovc v4;
	v16 =	vadd.f32 $9.099033340e-08, v14;
	v17 =	vand.u32 $0x7FFFFFFF, v19;
	v12 =	vmul.f32 v18, v7  }
0x1c7: {  	v4 =	vmovc v6;
	v14 =	vmul.f32 v21, v8;
	v6 =	vmovc v19;
	v18 =	vsub.f32 $0.0e+00, v17;
	v17 =	vadd.f32 $3.441791240e-02, v20  }
0x1c8: {  	_ = 	snop  }
0x1c9: {  	v18 =	vmul.f32 $1.442695020e+00, v18;
	_ =	sdelay $0x1  }
0x1ca: {  	(erf) = vpow2.f32 v18;
	_ =	sdelay $0x6  }
0x1cb: {  	v18 =	vpop (erf)  }
0x1cc: {  	v19 =	vmul.f32 $-6.074752660e-03, v18  }
0x1cd: {  	v17 =	vmul.f32 v17, v10;
	v20 =	vpop (erf)  }
0x1ce: {  	v19 =	vadd.f32 $3.441791240e-02, v19;
	v21 =	vmul.f32 $-6.074752660e-03, v20  }
0x1cf: {  	v17 =	vadd.f32 $-9.231230610e-02, v17  }
0x1d0: {  	v19 =	vmul.f32 v19, v18;
	v21 =	vadd.f32 $3.441791240e-02, v21  }
0x1d1: {  	v15 =	vadd.f32 $1.647818830e-01, v15;
	v17 =	vmul.f32 v17, v10  }
0x1d2: {  	v13 =	vadd.f32 v16, v13;
	v16 =	vadd.f32 $-9.231230610e-02, v19;
	v19 =	vmul.f32 v21, v20  }
0x1d3: {  	v15 =	vmul.f32 v15, v9;
	v17 =	vadd.f32 $1.647818830e-01, v17  }
0x1d4: {  	v11 =	vadd.f32 v13, v11;
	v13 =	vmul.f32 v16, v18;
	v16 =	vadd.f32 $-9.231230610e-02, v19  }
0x1d5: {  	v12 =	vadd.f32 $3.313336670e-01, v12;
	v15 =	vadd.f32 $-2.391897290e-01, v15;
	v17 =	vmul.f32 v17, v10  }
0x1d6: {  	v14 =	vadd.f32 $9.999914760e-01, v14;
	v13 =	vadd.f32 $1.647818830e-01, v13;
	v16 =	vmul.f32 v16, v20  }
0x1d7: {  	v12 =	vmul.f32 v12, v7;
	v15 =	vmul.f32 v15, v9;
	v17 =	vadd.f32 $-2.391897290e-01, v17  }
0x1d8: {  	v8 =	vmul.f32 v14, v8;
	v13 =	vmul.f32 v13, v18;
	v14 =	vadd.f32 $1.647818830e-01, v16  }
0x1d9: {  	v12 =	vadd.f32 $-4.998010990e-01, v12;
	v15 =	vadd.f32 $3.313336670e-01, v15;
	v16 =	vmul.f32 v17, v10  }
0x1da: {  	v5 =	vmax.f32 v5, $0.0e+00;
	v13 =	vadd.f32 $-2.391897290e-01, v13;
	v14 =	vmul.f32 v14, v20  }
0x1db: {  	v12 =	vmul.f32 v12, v7;
	v15 =	vmul.f32 v15, v9;
	v16 =	vadd.f32 $3.313336670e-01, v16  }
0x1dc: {  	v8 =	vadd.f32 $9.099033340e-08, v8;
	v13 =	vmul.f32 v13, v18;
	v14 =	vadd.f32 $-2.391897290e-01, v14  }
0x1dd: {  	v12 =	vadd.f32 $9.999914760e-01, v12;
	v15 =	vadd.f32 $-4.998010990e-01, v15;
	v16 =	vmul.f32 v16, v10  }
0x1de: {  	v5 =	vadd.f32 v8, v5;
	v8 =	vadd.f32 $3.313336670e-01, v13;
	v13 =	vmul.f32 v14, v20  }
0x1df: {  	v7 =	vmul.f32 v12, v7;
	v12 =	vmul.f32 v15, v9;
	v14 =	vadd.f32 $-4.998010990e-01, v16  }
0x1e0: {  	v5 =	vadd.f32 v5, v11;
	v8 =	vmul.f32 v8, v18;
	v11 =	vadd.f32 $3.313336670e-01, v13  }
0x1e1: {  	v7 =	vadd.f32 $9.099033340e-08, v7;
	v12 =	vadd.f32 $9.999914760e-01, v12;
	v13 =	vmul.f32 v14, v10  }
0x1e2: {  	v1 =	vmax.f32 v1, $0.0e+00;
	v8 =	vadd.f32 $-4.998010990e-01, v8;
	v11 =	vmul.f32 v11, v20  }
0x1e3: {  	v1 =	vadd.f32 v7, v1;
	v7 =	vmul.f32 v12, v9;
	v9 =	vadd.f32 $9.999914760e-01, v13  }
0x1e4: {  	v8 =	vmul.f32 v8, v18;
	v11 =	vadd.f32 $-4.998010990e-01, v11  }
0x1e5: {  	v1 =	vadd.f32 v1, v5;
	v5 =	vadd.f32 $9.099033340e-08, v7;
	v7 =	vmul.f32 v9, v10  }
0x1e6: {  	v2 =	vmax.f32 v2, $0.0e+00;
	v8 =	vadd.f32 $9.999914760e-01, v8;
	v9 =	vmul.f32 v11, v20  }
0x1e7: {  	v2 =	vadd.f32 v5, v2;
	v5 =	vadd.f32 $9.099033340e-08, v7  }
0x1e8: {  	v3 =	vmax.f32 v3, $0.0e+00;
	v7 =	vmul.f32 v8, v18;
	v8 =	vadd.f32 $9.999914760e-01, v9  }
0x1e9: {  	v1 =	vadd.f32 v2, v1;
	v2 =	vadd.f32 v5, v3  }
0x1ea: {  	v3 =	vadd.f32 $9.099033340e-08, v7;
	v5 =	vmul.f32 v8, v20  }
0x1eb: {  	v1 =	vadd.f32 v2, v1;
	v2 =	vmax.f32 v4, $0.0e+00  }
0x1ec: {  	v2 =	vadd.f32 v3, v2;
	v3 =	vadd.f32 $9.099033340e-08, v5  }
0x1ed: {  	v4 =	vmax.f32 v6, $0.0e+00  }
0x1ee: {  	v1 =	vadd.f32 v2, v1;
	v2 =	vadd.f32 v3, v4;
	_ =	sdelay $0x1  }
0x1ef: {  	v1 =	vadd.f32 v2, v1;
	_ =	sdelay $0x1  }
0x1f0: {  	s14 =	simm.s32 $0x0;
	[tilespmem:$0x6D80] =	vst v1  }
0x1f1: {  	[tilespmem:s14], [sflag:$0x1] =	stream.linear.gather [hbm4b:s8+s14], $0x6D60, $0x38;
	[tilespmem:$0x6E00] =	vst v63  }
0x1f2: {  	_ =	swait.ge [sflag:s11], $0x6D60  }
0x1f3: {  	[sflag:s11] =	ssyncset.done $0x0  }
0x1f4: {  	s24 =	simm.s32 $0x0;
	[sflag:s11] =	ssyncadd.s32 $0xFFFF92A0  }
0x1f5: {  	v11 =	vld [tilespmem:s24+$0x0];
	_ =	sdelay $0x4  }
0x1f6: {  	v1 =	vand.u32 $0x7FFFFFFF, v11  }
0x1f7: {  	v1 =	vsub.f32 $0.0e+00, v1;
	_ =	sdelay $0x1  }
0x1f8: {  	s25 =	simm.s32 $0x10;
	v1 =	vmul.f32 $1.442695020e+00, v1  }
0x1f9: {  	v5 =	vld [tilespmem:s25+$0x0]  }
0x1fa: {  	(erf) = vpow2.f32 v1;
	_ =	sdelay $0x3  }
0x1fb: {  	s26 =	simm.s32 $0x20;
	v1 =	vand.u32 $0x7FFFFFFF, v5  }
0x1fc: {  	v2 =	vsub.f32 $0.0e+00, v1;
	v1 =	vld [tilespmem:s26+$0x0];
	_ =	sdelay $0x2  }
0x1fd: {  	v2 =	vmul.f32 $1.442695020e+00, v2  }
0x1fe: {  	v12 =	vpop (erf)  }
0x1ff: {  	(erf) = vpow2.f32 v2;
	v2 =	vand.u32 $0x7FFFFFFF, v1;
	v3 =	vmul.f32 $-6.074752660e-03, v12  }
0x200: {  	v4 =	vsub.f32 $0.0e+00, v2  }
0x201: {  	s28 =	simm.s32 $0x30;
	v3 =	vadd.f32 $3.441791240e-02, v3  }
0x202: {  	v2 =	vld [tilespmem:s28+$0x0];
	v4 =	vmul.f32 $1.442695020e+00, v4  }
0x203: {  	v3 =	vmul.f32 v3, v12  }
0x204: {  	(erf) = vpow2.f32 v4  }
0x205: {  	v3 =	vadd.f32 $-9.231230610e-02, v3;
	_ =	sdelay $0x1  }
0x206: {  	v4 =	vand.u32 $0x7FFFFFFF, v2;
	v7 =	vmul.f32 v3, v12  }
0x207: {  	v4 =	vsub.f32 $0.0e+00, v4;
	v8 =	vpop (erf)  }
0x208: {  	v6 =	vmul.f32 $-6.074752660e-03, v8;
	v7 =	vadd.f32 $1.647818830e-01, v7  }
0x209: {  	s29 =	simm.s32 $0x40;
	v4 =	vmul.f32 $1.442695020e+00, v4  }
0x20a: {  	v6 =	vadd.f32 $3.441791240e-02, v6;
	v3 =	vld [tilespmem:s29+$0x0]  }
0x20b: {  	(erf) = vpow2.f32 v4  }
0x20c: {  	v6 =	vmul.f32 v6, v8;
	v4 =	vmul.f32 v7, v12;
	v7 =	vpop (erf)  }
0x20d: {  	v9 =	vmul.f32 $-6.074752660e-03, v7  }
0x20e: {  	v6 =	vadd.f32 $-9.231230610e-02, v6  }
0x20f: {  	v10 =	vand.u32 $0x7FFFFFFF, v3;
	v4 =	vadd.f32 $-2.391897290e-01, v4;
	v9 =	vadd.f32 $3.441791240e-02, v9  }
0x210: {  	v6 =	vmul.f32 v6, v8;
	v10 =	vsub.f32 $0.0e+00, v10  }
0x211: {  	s30 =	simm.s32 $0x50;
	v13 =	vmul.f32 v4, v12;
	v9 =	vmul.f32 v9, v7  }
0x212: {  	v6 =	vadd.f32 $1.647818830e-01, v6;
	v4 =	vld [tilespmem:s30+$0x0];
	v10 =	vmul.f32 $1.442695020e+00, v10  }
0x213: {  	v13 =	vadd.f32 $3.313336670e-01, v13  }
0x214: {  	v6 =	vmul.f32 v6, v8;
	(erf) = vpow2.f32 v10  }
0x215: {  	v13 =	vmul.f32 v13, v12;
	v10 =	vadd.f32 $-9.231230610e-02, v9;
	v9 =	vpop (erf)  }
0x216: {  	v6 =	vadd.f32 $-2.391897290e-01, v6;
	v14 =	vmul.f32 $-6.074752660e-03, v9  }
0x217: {  	v15 =	vand.u32 $0x7FFFFFFF, v4;
	v13 =	vadd.f32 $-4.998010990e-01, v13;
	v10 =	vmul.f32 v10, v7  }
0x218: {  	v16 =	vmul.f32 v6, v8;
	v15 =	vsub.f32 $0.0e+00, v15;
	v14 =	vadd.f32 $3.441791240e-02, v14  }
0x219: {  	s31 =	simm.s32 $0x60;
	v13 =	vmul.f32 v13, v12;
	v10 =	vadd.f32 $1.647818830e-01, v10  }
0x21a: {  	v6 =	vld [tilespmem:s31+$0x0];
	v16 =	vadd.f32 $3.313336670e-01, v16;
	v15 =	vmul.f32 $1.442695020e+00, v15;
	v14 =	vmul.f32 v14, v9  }
0x21b: {  	v13 =	vadd.f32 $9.999914760e-01, v13;
	v17 =	vmul.f32 v10, v7  }
0x21c: {  	v16 =	vmul.f32 v16, v8;
	(erf) = vpow2.f32 v15;
	v14 =	vadd.f32 $-9.231230610e-02, v14  }
0x21d: {  	v18 =	vmul.f32 v13, v12;
	v13 =	vmax.f32 v11, $0.0e+00;
	v10 =	vpop (erf);
	v17 =	vadd.f32 $-2.391897290e-01, v17  }
0x21e: {  	v11 =	vld [tilespmem:$0x6D80];
	v19 =	vmul.f32 $-6.074752660e-03, v10;
	v15 =	vmul.f32 v14, v9;
	v14 =	vadd.f32 $-4.998010990e-01, v16  }
0x21f: {  	v20 =	vand.u32 $0x7FFFFFFF, v6;
	v12 =	vmul.f32 v17, v7;
	v16 =	vadd.f32 $9.099033340e-08, v18  }
0x220: {  	s14 =	simm.s32 $0x1C0;
	v18 =	vsub.f32 $0.0e+00, v20;
	v17 =	vadd.f32 $3.441791240e-02, v19;
	v14 =	vmul.f32 v14, v8  }
.LBB2_12:
0x221: {  	s15 =	sshra.s32 s14, $0x2;
	p0 =	sne.s32 s14, $0x1B540;
	s14 =	sadd.s32 $0x40, s14;
	v15 =	vadd.f32 $1.647818830e-01, v15;
	v13 =	vadd.f32 v16, v13;
	v16 =	vmovc v8;
	v8 =	vmovc v7;
	v7 =	vmov v9  }
0x222: {  	v12 =	vadd.f32 $3.313336670e-01, v12;
	v9 =	vmovc v10;
	v19 =	vld [tilespmem:s15+$0x0];
	v18 =	vmul.f32 $1.442695020e+00, v18;
	v17 =	vmul.f32 v17, v10  }
0x223: {  	v14 =	vadd.f32 $9.999914760e-01, v14;
	v15 =	vmul.f32 v15, v7;
	v11 =	vadd.f32 v13, v11  }
.Ltmp5:
0x224: {  	v12 =	vmul.f32 v12, v8;
	(erf) = vpow2.f32 v18;
	v17 =	vadd.f32 $-9.231230610e-02, v17;
	(pc) =	sbr.rel @p0 .LBB2_12-.Ltmp5, $4  }
0x225: {  	v13 =	vmax.f32 v5, $0.0e+00;
	v14 =	vmul.f32 v14, v16;
	v10 =	vpop (erf);
	v18 =	vadd.f32 $-2.391897290e-01, v15  }
0x226: {  	v5 =	vmovc v1;
	v1 =	vmovc v2;
	v21 =	vadd.f32 $-4.998010990e-01, v12;
	v20 =	vmul.f32 $-6.074752660e-03, v10;
	v15 =	vmul.f32 v17, v9  }
0x227: {  	v2 =	vmovc v3;
	v3 =	vmovc v4;
	v16 =	vadd.f32 $9.099033340e-08, v14;
	v17 =	vand.u32 $0x7FFFFFFF, v19;
	v12 =	vmul.f32 v18, v7  }
0x228: {  	v4 =	vmovc v6;
	v14 =	vmul.f32 v21, v8;
	v6 =	vmovc v19;
	v18 =	vsub.f32 $0.0e+00, v17;
	v17 =	vadd.f32 $3.441791240e-02, v20  }
0x229: {  	_ = 	snop  }
0x22a: {  	v18 =	vmul.f32 $1.442695020e+00, v18;
	_ =	sdelay $0x1  }
0x22b: {  	(erf) = vpow2.f32 v18;
	_ =	sdelay $0x6  }
0x22c: {  	v40 =	vpop (erf)  }
0x22d: {  	v19 =	vmul.f32 $-6.074752660e-03, v40  }
0x22e: {  	v17 =	vmul.f32 v17, v10;
	v20 =	vpop (erf)  }
0x22f: {  	v19 =	vadd.f32 $3.441791240e-02, v19;
	v21 =	vmul.f32 $-6.074752660e-03, v20  }
0x230: {  	v17 =	vadd.f32 $-9.231230610e-02, v17  }
0x231: {  	v19 =	vmul.f32 v19, v40;
	v21 =	vadd.f32 $3.441791240e-02, v21  }
0x232: {  	v15 =	vadd.f32 $1.647818830e-01, v15;
	v17 =	vmul.f32 v17, v10  }
0x233: {  	v41 =	vadd.f32 $-9.231230610e-02, v19;
	v42 =	vmul.f32 v21, v20  }
0x234: {  	v15 =	vmul.f32 v15, v9;
	v17 =	vadd.f32 $1.647818830e-01, v17  }
0x235: {  	v13 =	vadd.f32 v16, v13;
	v43 =	vmul.f32 v41, v40;
	v44 =	vadd.f32 $-9.231230610e-02, v42  }
0x236: {  	v12 =	vadd.f32 $3.313336670e-01, v12;
	v15 =	vadd.f32 $-2.391897290e-01, v15;
	v17 =	vmul.f32 v17, v10  }
0x237: {  	v11 =	vadd.f32 v13, v11;
	v13 =	vadd.f32 $1.647818830e-01, v43;
	v16 =	vmul.f32 v44, v20  }
0x238: {  	v14 =	vadd.f32 $9.999914760e-01, v14;
	v15 =	vmul.f32 v15, v9;
	v17 =	vadd.f32 $-2.391897290e-01, v17  }
0x239: {  	v12 =	vmul.f32 v12, v7;
	v13 =	vmul.f32 v13, v40;
	v45 =	vadd.f32 $1.647818830e-01, v16  }
0x23a: {  	v8 =	vmul.f32 v14, v8;
	v15 =	vadd.f32 $3.313336670e-01, v15;
	v46 =	vmul.f32 v17, v10  }
0x23b: {  	v12 =	vadd.f32 $-4.998010990e-01, v12;
	v13 =	vadd.f32 $-2.391897290e-01, v13;
	v14 =	vmul.f32 v45, v20  }
0x23c: {  	v5 =	vmax.f32 v5, $0.0e+00;
	v15 =	vmul.f32 v15, v9;
	v16 =	vadd.f32 $3.313336670e-01, v46  }
0x23d: {  	v12 =	vmul.f32 v12, v7;
	v13 =	vmul.f32 v13, v40;
	v14 =	vadd.f32 $-2.391897290e-01, v14  }
0x23e: {  	v8 =	vadd.f32 $9.099033340e-08, v8;
	v15 =	vadd.f32 $-4.998010990e-01, v15;
	v16 =	vmul.f32 v16, v10  }
0x23f: {  	v12 =	vadd.f32 $9.999914760e-01, v12;
	v47 =	vadd.f32 $3.313336670e-01, v13;
	v48 =	vmul.f32 v14, v20  }
0x240: {  	v5 =	vadd.f32 v8, v5;
	v50 =	vmul.f32 v15, v9;
	v51 =	vadd.f32 $-4.998010990e-01, v16  }
0x241: {  	v49 =	vmul.f32 v12, v7;
	v8 =	vmul.f32 v47, v40;
	v52 =	vadd.f32 $3.313336670e-01, v48  }
0x242: {  	v5 =	vadd.f32 v5, v11;
	v12 =	vadd.f32 $9.999914760e-01, v50;
	v53 =	vmul.f32 v51, v10  }
0x243: {  	v7 =	vadd.f32 $9.099033340e-08, v49;
	v8 =	vadd.f32 $-4.998010990e-01, v8;
	v11 =	vmul.f32 v52, v20  }
0x244: {  	v1 =	vmax.f32 v1, $0.0e+00;
	v54 =	vmul.f32 v12, v9;
	v55 =	vadd.f32 $9.999914760e-01, v53  }
0x245: {  	v1 =	vadd.f32 v7, v1;
	v8 =	vmul.f32 v8, v40;
	v11 =	vadd.f32 $-4.998010990e-01, v11  }
0x246: {  	v2 =	vmax.f32 v2, $0.0e+00;
	v56 =	vadd.f32 $9.099033340e-08, v54;
	v57 =	vmul.f32 v55, v10  }
0x247: {  	v1 =	vadd.f32 v1, v5;
	v8 =	vadd.f32 $9.999914760e-01, v8;
	v58 =	vmul.f32 v11, v20  }
0x248: {  	v2 =	vadd.f32 v56, v2;
	v59 =	vadd.f32 $9.099033340e-08, v57  }
0x249: {  	v3 =	vmax.f32 v3, $0.0e+00;
	v60 =	vmul.f32 v8, v40;
	v61 =	vadd.f32 $9.999914760e-01, v58  }
0x24a: {  	v1 =	vadd.f32 v2, v1;
	v2 =	vadd.f32 v59, v3  }
0x24b: {  	v3 =	vadd.f32 $9.099033340e-08, v60;
	v62 =	vmul.f32 v61, v20  }
0x24c: {  	v1 =	vadd.f32 v2, v1;
	v2 =	vmax.f32 v4, $0.0e+00  }
0x24d: {  	v2 =	vadd.f32 v3, v2;
	v3 =	vadd.f32 $9.099033340e-08, v62  }
0x24e: {  	v63 =	vmax.f32 v6, $0.0e+00  }
0x24f: {  	v1 =	vadd.f32 v2, v1;
	v2 =	vadd.f32 v3, v63;
	_ =	sdelay $0x1  }
0x250: {  	s13 =	sadd.s32 $0x1, s13;
	v1 =	vadd.f32 v2, v1  }
0x251: {  	p0 =	sne.s32 s13, s10  }
.Ltmp6:
0x252: {  	[tilespmem:$0x6D80] =	vst v1;
	(pc) =	sbr.rel @p0 .LBB2_1-.Ltmp6, $4  }
0x253: {  	[hbm4b:s9+s2] =	stream.linear.scatter [tilespmem:s12], [sflag:$0x1], $0x80, $0x38;
	[tilespmem:$0x6E00] =	vst v63  }
0x254: {  	_ =	swait.ge [sflag:s11], $0x80  }
0x255: {  	[sflag:s11] =	ssyncset.done $0x0  }
0x256: {  	[sflag:s11] =	ssyncadd.s32 $0xFFFFFF80  }
0x257: {  	_ =	sfence.sel $0x180000  }
0x258: {  	[bflag:$0x0] =	sbarrier.arrive $0xFFFF  }
0x259: {  	p0 =	sne.s32 s0, $0x0;
	_ =	strace $0x90000047  }
0x25a: {  	s0 =	sadd.s32 @!p0 $0x100000, s1;
	[bflag:$0x2] =	sbarrier.arrive $0xFFFF  }
0x25b: {  	[sflag:s0] =	ssyncadd.tile.s32 @!p0 $0x1;
	_ =	shalt  }
.Lfunc_end2:
_tile_overlayer_lowered:
.L_overlay_start_2:
0x25c: {  	(tag) =	ssettag $0x2  }
0x25d: {  	s0 =	rddreg [dreg:$0x0];
	s2 =	stileid.u32  }
0x25e: {  	s1 =	rddreg [dreg:$0x1];
	p0 =	sne.s32 s2, $0x0  }
0x25f: {  	s3 =	rddreg [dreg:$0x2];
	[bflag:$0x3] =	sbarrier.arrive $0xFFFF;
	s2 =	simm.s32 @!p0 $0x1C01  }
0x260: {  	[timem:s3], [sflag:s2] =	dma.local @!p0 [hbm:s0], s1  }
0x261: {  	s0 =	simm.s32 @!p0 $0x1  }
0x262: {  	_ =	swait.ge @!p0 [sflag:s0], s1  }
0x263: {  	s1 =	ssub.s32 @!p0 $0x0, s1;
	[sflag:s0] =	ssyncset.done @!p0 $0x0  }
0x264: {  	[sflag:s0] =	ssyncadd.s32 @!p0 s1  }
0x265: {  	[bflag:$0x3] =	sbarrier.arrive $0xFFFF  }
0x266: {  	_ =	shalt  }

</sc_bundles>
